<compile_context>
chip_gen: v7x
topology: tpu7x:2x2x1
jax: 0.10.2.dev20260603
libtpu: 0.0.44.dev20260713+nightly
codegen_flags: <defaults>
</compile_context>

<pallas_src>
import functools

import jax
import jax.numpy as jnp
from jax import lax
from jax.experimental import pallas as pl
from jax.experimental.pallas import tpu as pltpu
from jax.experimental.pallas import tpu_sc as plsc

_V = 1000
_D = 128
_CHUNK = 80


@functools.cache
def _gather_fn(n_tok, off):
    info = plsc.get_sparse_core_info()
    nc, ns = info.num_cores, info.num_subcores
    nw = nc * ns
    per_w = n_tok // nw
    n_steps = per_w // _CHUNK
    assert per_w * nw == n_tok and n_steps * _CHUNK == per_w and n_steps % 2 == 0
    mesh = plsc.VectorSubcoreMesh(core_axis_name="c", subcore_axis_name="s")

    @functools.partial(
        pl.kernel,
        mesh=mesh,
        out_type=jax.ShapeDtypeStruct((n_tok, _D), jnp.float32),
        scratch_types=[
            pltpu.VMEM((per_w,), jnp.int32),
            pltpu.VMEM((_CHUNK, _D), jnp.float32),
            pltpu.VMEM((_CHUNK, _D), jnp.float32),
            pltpu.SemaphoreType.DMA,
            pltpu.SemaphoreType.DMA,
            pltpu.SemaphoreType.DMA,
            pltpu.SemaphoreType.DMA,
        ],
    )
    def gather(table_hbm, ids_hbm, e_hbm, idx_v, buf_a, buf_b, ga, gb, wa, wb):
        wid = lax.axis_index("s") * nc + lax.axis_index("c")
        base = wid * per_w
        pltpu.sync_copy(ids_hbm.at[pl.ds(off + base, per_w)], idx_v)

        def g_issue(i, buf, sem):
            pltpu.async_copy(
                table_hbm.at[idx_v.at[pl.ds(i * _CHUNK, _CHUNK)]], buf, sem
            )

        def g_wait(i, buf, sem):
            pltpu.make_async_copy(
                table_hbm.at[idx_v.at[pl.ds(i * _CHUNK, _CHUNK)]], buf, sem
            ).wait()

        def w_issue(i, buf, sem):
            pltpu.async_copy(buf, e_hbm.at[pl.ds(base + i * _CHUNK, _CHUNK)], sem)

        def w_wait(i, buf, sem):
            pltpu.make_async_copy(
                buf, e_hbm.at[pl.ds(base + i * _CHUNK, _CHUNK)], sem
            ).wait()

        g_issue(0, buf_a, ga)
        g_issue(1, buf_b, gb)

        def body(j, carry):
            ia = 2 * j
            ib = ia + 1
            g_wait(ia, buf_a, ga)
            w_issue(ia, buf_a, wa)
            g_wait(ib, buf_b, gb)
            w_wait(ia, buf_a, wa)

            @pl.when(ia + 2 < n_steps)
            def _():
                g_issue(ia + 2, buf_a, ga)

            w_issue(ib, buf_b, wb)
            w_wait(ib, buf_b, wb)

            @pl.when(ib + 2 < n_steps)
            def _():
                g_issue(ib + 2, buf_b, gb)

            return carry

        lax.fori_loop(0, n_steps // 2, body, 0)

    return gather


def _matmul_body(e_ref, t_ref, o_ref):
    e = e_ref[0].astype(jnp.bfloat16)
    t = t_ref[...].astype(jnp.bfloat16)
    o = lax.dot_general(
        t, e, (((1,), (1,)), ((), ())), preferred_element_type=jnp.float32
    )
    o_ref[0] = o


def _matmul_alias_body(e_ref, t_ref, _p_ref, o_ref):
    _matmul_body(e_ref, t_ref, o_ref)


def _matmul_chunk(e2, table, p, b, l, off, lc):
    if p is None:
        return pl.pallas_call(
            _matmul_body,
            grid=(lc,),
            in_specs=[
                pl.BlockSpec((1, b, _D), lambda i: (i, 0, 0)),
                pl.BlockSpec((_V, _D), lambda i: (0, 0)),
            ],
            out_specs=pl.BlockSpec((1, _V, b), lambda i: (i + off, 0, 0)),
            out_shape=jax.ShapeDtypeStruct((l, _V, b), jnp.float32),
        )(e2, table)
    return pl.pallas_call(
        _matmul_alias_body,
        grid=(lc,),
        in_specs=[
            pl.BlockSpec((1, b, _D), lambda i: (i, 0, 0)),
            pl.BlockSpec((_V, _D), lambda i: (0, 0)),
            pl.BlockSpec(memory_space=pl.ANY),
        ],
        out_specs=pl.BlockSpec((1, _V, b), lambda i: (i + off, 0, 0)),
        out_shape=jax.ShapeDtypeStruct((l, _V, b), jnp.float32),
        input_output_aliases={2: 0},
    )(e2, table, p)


_SPLITS = (10, 15, 25)


def kernel(ids, table):
    b, l = ids.shape
    assert sum(_SPLITS) == l
    idx_all = jnp.transpose(ids).reshape(-1)
    chunks = []
    off = 0
    for lc in _SPLITS:
        e = _gather_fn(lc * b, off * b)(table, idx_all).reshape(lc, b, _D)
        chunks.append((off, lc, e))
        off += lc
    p = None
    for off, lc, e in chunks:
        p = _matmul_chunk(e, table, p, b, l, off, lc)
    return jnp.transpose(p, (2, 0, 1))

# --- scband reference (transcript-rebuilt; emitter-appended) ---
"""Pipeline reference for scband-invertible-embedder-32177894982137 (READ-ONLY COPY).

The authoritative reference and input builder live on the scoring server;
editing this copy changes nothing except your own understanding.
"""

import jax, jax.numpy as jnp
import numpy as np

NUM_EMBEDDINGS = 1000
EMBEDDING_DIM = 128
PADDING_IDX = 0
BATCH = 1024
HIST_LEN = 50


def setup_inputs(seed: int = 0) -> dict:
    key = jax.random.key(seed)
    k1, k2 = jax.random.split(key)
    ids = jax.random.randint(k1, (BATCH, HIST_LEN), 0, NUM_EMBEDDINGS, dtype=jnp.int32)
    # learned parameter: embedding table, init per torch.rand (uniform [0,1))
    table = jax.random.uniform(k2, (NUM_EMBEDDINGS, EMBEDDING_DIM), dtype=jnp.float32)
    return {"ids": ids, "table": table}


def reference(ids, table):
    # embed: F.embedding(ids, table, padding_idx) -> pure gather in forward
    e = jnp.take(table, ids, axis=0)  # [B, L, D]
    # invert: F.linear(weights, table.t()) -> weights @ table.T.T ... linear(x, W) = x @ W.T,
    # with W = table.t() so invert(e) = e @ table.T ... shape [B, L, V]
    logits = jnp.einsum('bld,vd->blv', e, table)
    return logits

if __name__ == "__main__":
    import jax
    _d = setup_inputs()
    print(jax.jit(kernel)(*tuple(_d.values())))

</pallas_src>

<mosaic_0001>
#map = affine_map<(d0, d1) -> (0, 0)>
#map1 = affine_map<(d0, d1) -> (0)>
module attributes {stable_mosaic.version = 14 : i64} {
  func.func @gather(%arg0: i32, %arg1: i32, %arg2: memref<1000x128xf32, #tpu.memory_space<hbm>>, %arg3: memref<51200xi32, #tpu.memory_space<hbm>>, %arg4: memref<10240x128xf32, #tpu.memory_space<hbm>>, %arg5: memref<320xi32, #tpu.memory_space<vmem>>, %arg6: memref<80x128xf32, #tpu.memory_space<vmem>>, %arg7: memref<80x128xf32, #tpu.memory_space<vmem>>, %arg8: memref<!tpu.dma_semaphore, #tpu.memory_space<semaphore_mem>>, %arg9: memref<!tpu.dma_semaphore, #tpu.memory_space<semaphore_mem>>, %arg10: memref<!tpu.dma_semaphore, #tpu.memory_space<semaphore_mem>>, %arg11: memref<!tpu.dma_semaphore, #tpu.memory_space<semaphore_mem>>) attributes {dimension_semantics = [#tpu.dimension_semantics<core_parallel>, #tpu.dimension_semantics<subcore_parallel>], iteration_bounds = array<i64: 2, 16>, scalar_prefetch = 0 : i64, scratch_operands = 7 : i64, tpu.core_type = #tpu.core_type<sc_vector_subcore>, window_params = [{transform_indices = #map}, {transform_indices = #map1}, {transform_indices = #map}]} {
    %mul3A = arith.constant 2 : i32
    %mul3A_0 = arith.muli %arg1, %mul3A : i32
    %add3A = arith.addi %mul3A_0, %arg0 : i32
    %mul3A_1 = arith.constant 320 : i32
    %mul3A_2 = arith.muli %add3A, %mul3A_1 : i32
    %add3A_3 = arith.constant 0 : i32
    %add3A_4 = arith.addi %add3A_3, %mul3A_2 : i32
    "tpu.region"() ({
      %run_scoped3A = tpu.sem_alloc : memref<!tpu.dma_semaphore, #tpu.memory_space<semaphore_mem>>
      %dma_start3A_19 = tpu.memref_slice %arg3[%add3A_4] : memref<51200xi32, #tpu.memory_space<hbm>> -> memref<320xi32, #tpu.memory_space<hbm>>
      %dma_start3A_20 = tpu.memref_slice %arg3[%add3A_4] : memref<51200xi32, #tpu.memory_space<hbm>> -> memref<320xi32, #tpu.memory_space<hbm>>
      tpu.enqueue_dma source(%dma_start3A_20 : memref<320xi32, #tpu.memory_space<hbm>>) target(%arg5 : memref<320xi32, #tpu.memory_space<vmem>>) target_semaphore(%run_scoped3A : memref<!tpu.dma_semaphore, #tpu.memory_space<semaphore_mem>>)
      %dma_wait3A = tpu.memref_slice %arg3[%add3A_4] : memref<51200xi32, #tpu.memory_space<hbm>> -> memref<320xi32, #tpu.memory_space<hbm>>
      %dma_wait3A_21 = tpu.memref_slice %arg3[%add3A_4] : memref<51200xi32, #tpu.memory_space<hbm>> -> memref<320xi32, #tpu.memory_space<hbm>>
      tpu.wait_dma2 semaphore(%run_scoped3A : memref<!tpu.dma_semaphore, #tpu.memory_space<semaphore_mem>>) src(%dma_wait3A_21 : memref<320xi32, #tpu.memory_space<hbm>>) dst(%arg5 : memref<320xi32, #tpu.memory_space<vmem>>)
      tpu.yield
    }) : () -> ()
    %dma_start3A = arith.constant 0 : i32
    %dma_start3A_5 = tpu.memref_slice %arg5[%dma_start3A] : memref<320xi32, #tpu.memory_space<vmem>> -> memref<80xi32, #tpu.memory_space<vmem>>
    %dma_start3A_6 = arith.constant 0 : i32
    %dma_start3A_7 = arith.constant 0 : i32
    %dma_start3A_8 = tpu.memref_slice %arg2[%dma_start3A_6, %dma_start3A_7] : memref<1000x128xf32, #tpu.memory_space<hbm>> -> memref<1000x128xf32, #tpu.memory_space<hbm>>
    tpu.enqueue_indirect_dma source(%dma_start3A_8 : memref<1000x128xf32, #tpu.memory_space<hbm>>) target(%arg6 : memref<80x128xf32, #tpu.memory_space<vmem>>) offsets(%dma_start3A_5 : memref<80xi32, #tpu.memory_space<vmem>>) semaphore(%arg8 : memref<!tpu.dma_semaphore, #tpu.memory_space<semaphore_mem>>)
    %dma_start3A_9 = arith.constant 80 : i32
    %dma_start3A_10 = tpu.memref_slice %arg5[%dma_start3A_9] : memref<320xi32, #tpu.memory_space<vmem>> -> memref<80xi32, #tpu.memory_space<vmem>>
    %dma_start3A_11 = arith.constant 0 : i32
    %dma_start3A_12 = arith.constant 0 : i32
    %dma_start3A_13 = tpu.memref_slice %arg2[%dma_start3A_11, %dma_start3A_12] : memref<1000x128xf32, #tpu.memory_space<hbm>> -> memref<1000x128xf32, #tpu.memory_space<hbm>>
    tpu.enqueue_indirect_dma source(%dma_start3A_13 : memref<1000x128xf32, #tpu.memory_space<hbm>>) target(%arg7 : memref<80x128xf32, #tpu.memory_space<vmem>>) offsets(%dma_start3A_10 : memref<80xi32, #tpu.memory_space<vmem>>) semaphore(%arg9 : memref<!tpu.dma_semaphore, #tpu.memory_space<semaphore_mem>>)
    %scan3A = arith.constant 0 : i32
    %scan3A_14 = arith.constant 0 : i32
    %scan3A_15 = arith.constant 2 : i32
    %scan3A_16 = arith.addi %scan3A_14, %scan3A_15 : i32
    %scan3A_17 = arith.constant 1 : i32
    scf.for %scan3A_19 = %scan3A_14 to %scan3A_16 step %scan3A_17  : i32 {
      %mul3A_20 = arith.constant 2 : i32
      %mul3A_21 = arith.muli %mul3A_20, %scan3A_19 : i32
      %add3A_22 = arith.constant 1 : i32
      %add3A_23 = arith.addi %mul3A_21, %add3A_22 : i32
      %mul3A_24 = arith.constant 80 : i32
      %mul3A_25 = arith.muli %mul3A_21, %mul3A_24 : i32
      %dma_wait3A = tpu.memref_slice %arg5[%mul3A_25] : memref<320xi32, #tpu.memory_space<vmem>> -> memref<80xi32, #tpu.memory_space<vmem>>
      %dma_wait3A_26 = arith.constant 0 : i32
      %dma_wait3A_27 = arith.constant 0 : i32
      %dma_wait3A_28 = tpu.memref_slice %arg2[%dma_wait3A_26, %dma_wait3A_27] : memref<1000x128xf32, #tpu.memory_space<hbm>> -> memref<1000x128xf32, #tpu.memory_space<hbm>>
      tpu.wait_indirect_dma semaphore(%arg8 : memref<!tpu.dma_semaphore, #tpu.memory_space<semaphore_mem>>) src(%dma_wait3A_28 : memref<1000x128xf32, #tpu.memory_space<hbm>>) dst(%arg6 : memref<80x128xf32, #tpu.memory_space<vmem>>)
      %mul3A_29 = arith.constant 80 : i32
      %mul3A_30 = arith.muli %mul3A_21, %mul3A_29 : i32
      %add3A_31 = arith.addi %mul3A_2, %mul3A_30 : i32
      %dma_start3A_32 = arith.constant 0 : i32
      %dma_start3A_33 = tpu.memref_slice %arg4[%add3A_31, %dma_start3A_32] : memref<10240x128xf32, #tpu.memory_space<hbm>> -> memref<80x128xf32, #tpu.memory_space<hbm>>
      %dma_start3A_34 = arith.constant 0 : i32
      %dma_start3A_35 = tpu.memref_slice %arg4[%add3A_31, %dma_start3A_34] : memref<10240x128xf32, #tpu.memory_space<hbm>> -> memref<80x128xf32, #tpu.memory_space<hbm>>
      tpu.enqueue_dma source(%arg6 : memref<80x128xf32, #tpu.memory_space<vmem>>) target(%dma_start3A_35 : memref<80x128xf32, #tpu.memory_space<hbm>>) target_semaphore(%arg10 : memref<!tpu.dma_semaphore, #tpu.memory_space<semaphore_mem>>)
      %mul3A_36 = arith.constant 80 : i32
      %mul3A_37 = arith.muli %add3A_23, %mul3A_36 : i32
      %dma_wait3A_38 = tpu.memref_slice %arg5[%mul3A_37] : memref<320xi32, #tpu.memory_space<vmem>> -> memref<80xi32, #tpu.memory_space<vmem>>
      %dma_wait3A_39 = arith.constant 0 : i32
      %dma_wait3A_40 = arith.constant 0 : i32
      %dma_wait3A_41 = tpu.memref_slice %arg2[%dma_wait3A_39, %dma_wait3A_40] : memref<1000x128xf32, #tpu.memory_space<hbm>> -> memref<1000x128xf32, #tpu.memory_space<hbm>>
      tpu.wait_indirect_dma semaphore(%arg9 : memref<!tpu.dma_semaphore, #tpu.memory_space<semaphore_mem>>) src(%dma_wait3A_41 : memref<1000x128xf32, #tpu.memory_space<hbm>>) dst(%arg7 : memref<80x128xf32, #tpu.memory_space<vmem>>)
      %mul3A_42 = arith.constant 80 : i32
      %mul3A_43 = arith.muli %mul3A_21, %mul3A_42 : i32
      %add3A_44 = arith.addi %mul3A_2, %mul3A_43 : i32
      %dma_wait3A_45 = arith.constant 0 : i32
      %dma_wait3A_46 = tpu.memref_slice %arg4[%add3A_44, %dma_wait3A_45] : memref<10240x128xf32, #tpu.memory_space<hbm>> -> memref<80x128xf32, #tpu.memory_space<hbm>>
      %dma_wait3A_47 = arith.constant 0 : i32
      %dma_wait3A_48 = tpu.memref_slice %arg4[%add3A_44, %dma_wait3A_47] : memref<10240x128xf32, #tpu.memory_space<hbm>> -> memref<80x128xf32, #tpu.memory_space<hbm>>
      tpu.wait_dma2 semaphore(%arg10 : memref<!tpu.dma_semaphore, #tpu.memory_space<semaphore_mem>>) src(%arg6 : memref<80x128xf32, #tpu.memory_space<vmem>>) dst(%dma_wait3A_48 : memref<80x128xf32, #tpu.memory_space<hbm>>)
      %add3A_49 = arith.constant 2 : i32
      %add3A_50 = arith.addi %mul3A_21, %add3A_49 : i32
      %lt3A = arith.constant 4 : i32
      %lt3A_51 = arith.cmpi slt, %add3A_50, %lt3A : i32
      %convert_element_type3A = arith.extui %lt3A_51 : i1 to i32
      %cond3A = arith.constant 0 : i32
      %cond3A_52 = arith.cmpi ne, %convert_element_type3A, %cond3A : i32
      scf.if %cond3A_52 {
        %add3A_74 = arith.constant 2 : i32
        %add3A_75 = arith.addi %mul3A_21, %add3A_74 : i32
        %mul3A_76 = arith.constant 80 : i32
        %mul3A_77 = arith.muli %add3A_75, %mul3A_76 : i32
        %dma_start3A_78 = tpu.memref_slice %arg5[%mul3A_77] : memref<320xi32, #tpu.memory_space<vmem>> -> memref<80xi32, #tpu.memory_space<vmem>>
        %dma_start3A_79 = arith.constant 0 : i32
        %dma_start3A_80 = arith.constant 0 : i32
        %dma_start3A_81 = tpu.memref_slice %arg2[%dma_start3A_79, %dma_start3A_80] : memref<1000x128xf32, #tpu.memory_space<hbm>> -> memref<1000x128xf32, #tpu.memory_space<hbm>>
        tpu.enqueue_indirect_dma source(%dma_start3A_81 : memref<1000x128xf32, #tpu.memory_space<hbm>>) target(%arg6 : memref<80x128xf32, #tpu.memory_space<vmem>>) offsets(%dma_start3A_78 : memref<80xi32, #tpu.memory_space<vmem>>) semaphore(%arg8 : memref<!tpu.dma_semaphore, #tpu.memory_space<semaphore_mem>>)
      } else {
      }
      %mul3A_53 = arith.constant 80 : i32
      %mul3A_54 = arith.muli %add3A_23, %mul3A_53 : i32
      %add3A_55 = arith.addi %mul3A_2, %mul3A_54 : i32
      %dma_start3A_56 = arith.constant 0 : i32
      %dma_start3A_57 = tpu.memref_slice %arg4[%add3A_55, %dma_start3A_56] : memref<10240x128xf32, #tpu.memory_space<hbm>> -> memref<80x128xf32, #tpu.memory_space<hbm>>
      %dma_start3A_58 = arith.constant 0 : i32
      %dma_start3A_59 = tpu.memref_slice %arg4[%add3A_55, %dma_start3A_58] : memref<10240x128xf32, #tpu.memory_space<hbm>> -> memref<80x128xf32, #tpu.memory_space<hbm>>
      tpu.enqueue_dma source(%arg7 : memref<80x128xf32, #tpu.memory_space<vmem>>) target(%dma_start3A_59 : memref<80x128xf32, #tpu.memory_space<hbm>>) target_semaphore(%arg11 : memref<!tpu.dma_semaphore, #tpu.memory_space<semaphore_mem>>)
      %mul3A_60 = arith.constant 80 : i32
      %mul3A_61 = arith.muli %add3A_23, %mul3A_60 : i32
      %add3A_62 = arith.addi %mul3A_2, %mul3A_61 : i32
      %dma_wait3A_63 = arith.constant 0 : i32
      %dma_wait3A_64 = tpu.memref_slice %arg4[%add3A_62, %dma_wait3A_63] : memref<10240x128xf32, #tpu.memory_space<hbm>> -> memref<80x128xf32, #tpu.memory_space<hbm>>
      %dma_wait3A_65 = arith.constant 0 : i32
      %dma_wait3A_66 = tpu.memref_slice %arg4[%add3A_62, %dma_wait3A_65] : memref<10240x128xf32, #tpu.memory_space<hbm>> -> memref<80x128xf32, #tpu.memory_space<hbm>>
      tpu.wait_dma2 semaphore(%arg11 : memref<!tpu.dma_semaphore, #tpu.memory_space<semaphore_mem>>) src(%arg7 : memref<80x128xf32, #tpu.memory_space<vmem>>) dst(%dma_wait3A_66 : memref<80x128xf32, #tpu.memory_space<hbm>>)
      %add3A_67 = arith.constant 2 : i32
      %add3A_68 = arith.addi %add3A_23, %add3A_67 : i32
      %lt3A_69 = arith.constant 4 : i32
      %lt3A_70 = arith.cmpi slt, %add3A_68, %lt3A_69 : i32
      %convert_element_type3A_71 = arith.extui %lt3A_70 : i1 to i32
      %cond3A_72 = arith.constant 0 : i32
      %cond3A_73 = arith.cmpi ne, %convert_element_type3A_71, %cond3A_72 : i32
      scf.if %cond3A_73 {
        %add3A_74 = arith.constant 2 : i32
        %add3A_75 = arith.addi %add3A_23, %add3A_74 : i32
        %mul3A_76 = arith.constant 80 : i32
        %mul3A_77 = arith.muli %add3A_75, %mul3A_76 : i32
        %dma_start3A_78 = tpu.memref_slice %arg5[%mul3A_77] : memref<320xi32, #tpu.memory_space<vmem>> -> memref<80xi32, #tpu.memory_space<vmem>>
        %dma_start3A_79 = arith.constant 0 : i32
        %dma_start3A_80 = arith.constant 0 : i32
        %dma_start3A_81 = tpu.memref_slice %arg2[%dma_start3A_79, %dma_start3A_80] : memref<1000x128xf32, #tpu.memory_space<hbm>> -> memref<1000x128xf32, #tpu.memory_space<hbm>>
        tpu.enqueue_indirect_dma source(%dma_start3A_81 : memref<1000x128xf32, #tpu.memory_space<hbm>>) target(%arg7 : memref<80x128xf32, #tpu.memory_space<vmem>>) offsets(%dma_start3A_78 : memref<80xi32, #tpu.memory_space<vmem>>) semaphore(%arg9 : memref<!tpu.dma_semaphore, #tpu.memory_space<semaphore_mem>>)
      } else {
      }
    }
    %scan3A_18 = arith.constant 2 : i32
    return
  }
}

#map = affine_map<(d0, d1) -> (0, 0)>
#map1 = affine_map<(d0, d1) -> (0)>
module attributes {stable_mosaic.version = 14 : i64} {
  func.func @gather(%arg0: i32, %arg1: i32, %arg2: memref<1000x128xf32, #tpu.memory_space<hbm>>, %arg3: memref<51200xi32, #tpu.memory_space<hbm>>, %arg4: memref<15360x128xf32, #tpu.memory_space<hbm>>, %arg5: memref<480xi32, #tpu.memory_space<vmem>>, %arg6: memref<80x128xf32, #tpu.memory_space<vmem>>, %arg7: memref<80x128xf32, #tpu.memory_space<vmem>>, %arg8: memref<!tpu.dma_semaphore, #tpu.memory_space<semaphore_mem>>, %arg9: memref<!tpu.dma_semaphore, #tpu.memory_space<semaphore_mem>>, %arg10: memref<!tpu.dma_semaphore, #tpu.memory_space<semaphore_mem>>, %arg11: memref<!tpu.dma_semaphore, #tpu.memory_space<semaphore_mem>>) attributes {dimension_semantics = [#tpu.dimension_semantics<core_parallel>, #tpu.dimension_semantics<subcore_parallel>], iteration_bounds = array<i64: 2, 16>, scalar_prefetch = 0 : i64, scratch_operands = 7 : i64, tpu.core_type = #tpu.core_type<sc_vector_subcore>, window_params = [{transform_indices = #map}, {transform_indices = #map1}, {transform_indices = #map}]} {
    %mul3A = arith.constant 2 : i32
    %mul3A_0 = arith.muli %arg1, %mul3A : i32
    %add3A = arith.addi %mul3A_0, %arg0 : i32
    %mul3A_1 = arith.constant 480 : i32
    %mul3A_2 = arith.muli %add3A, %mul3A_1 : i32
    %add3A_3 = arith.constant 10240 : i32
    %add3A_4 = arith.addi %add3A_3, %mul3A_2 : i32
    "tpu.region"() ({
      %run_scoped3A = tpu.sem_alloc : memref<!tpu.dma_semaphore, #tpu.memory_space<semaphore_mem>>
      %dma_start3A_19 = tpu.memref_slice %arg3[%add3A_4] : memref<51200xi32, #tpu.memory_space<hbm>> -> memref<480xi32, #tpu.memory_space<hbm>>
      %dma_start3A_20 = tpu.memref_slice %arg3[%add3A_4] : memref<51200xi32, #tpu.memory_space<hbm>> -> memref<480xi32, #tpu.memory_space<hbm>>
      tpu.enqueue_dma source(%dma_start3A_20 : memref<480xi32, #tpu.memory_space<hbm>>) target(%arg5 : memref<480xi32, #tpu.memory_space<vmem>>) target_semaphore(%run_scoped3A : memref<!tpu.dma_semaphore, #tpu.memory_space<semaphore_mem>>)
      %dma_wait3A = tpu.memref_slice %arg3[%add3A_4] : memref<51200xi32, #tpu.memory_space<hbm>> -> memref<480xi32, #tpu.memory_space<hbm>>
      %dma_wait3A_21 = tpu.memref_slice %arg3[%add3A_4] : memref<51200xi32, #tpu.memory_space<hbm>> -> memref<480xi32, #tpu.memory_space<hbm>>
      tpu.wait_dma2 semaphore(%run_scoped3A : memref<!tpu.dma_semaphore, #tpu.memory_space<semaphore_mem>>) src(%dma_wait3A_21 : memref<480xi32, #tpu.memory_space<hbm>>) dst(%arg5 : memref<480xi32, #tpu.memory_space<vmem>>)
      tpu.yield
    }) : () -> ()
    %dma_start3A = arith.constant 0 : i32
    %dma_start3A_5 = tpu.memref_slice %arg5[%dma_start3A] : memref<480xi32, #tpu.memory_space<vmem>> -> memref<80xi32, #tpu.memory_space<vmem>>
    %dma_start3A_6 = arith.constant 0 : i32
    %dma_start3A_7 = arith.constant 0 : i32
    %dma_start3A_8 = tpu.memref_slice %arg2[%dma_start3A_6, %dma_start3A_7] : memref<1000x128xf32, #tpu.memory_space<hbm>> -> memref<1000x128xf32, #tpu.memory_space<hbm>>
    tpu.enqueue_indirect_dma source(%dma_start3A_8 : memref<1000x128xf32, #tpu.memory_space<hbm>>) target(%arg6 : memref<80x128xf32, #tpu.memory_space<vmem>>) offsets(%dma_start3A_5 : memref<80xi32, #tpu.memory_space<vmem>>) semaphore(%arg8 : memref<!tpu.dma_semaphore, #tpu.memory_space<semaphore_mem>>)
    %dma_start3A_9 = arith.constant 80 : i32
    %dma_start3A_10 = tpu.memref_slice %arg5[%dma_start3A_9] : memref<480xi32, #tpu.memory_space<vmem>> -> memref<80xi32, #tpu.memory_space<vmem>>
    %dma_start3A_11 = arith.constant 0 : i32
    %dma_start3A_12 = arith.constant 0 : i32
    %dma_start3A_13 = tpu.memref_slice %arg2[%dma_start3A_11, %dma_start3A_12] : memref<1000x128xf32, #tpu.memory_space<hbm>> -> memref<1000x128xf32, #tpu.memory_space<hbm>>
    tpu.enqueue_indirect_dma source(%dma_start3A_13 : memref<1000x128xf32, #tpu.memory_space<hbm>>) target(%arg7 : memref<80x128xf32, #tpu.memory_space<vmem>>) offsets(%dma_start3A_10 : memref<80xi32, #tpu.memory_space<vmem>>) semaphore(%arg9 : memref<!tpu.dma_semaphore, #tpu.memory_space<semaphore_mem>>)
    %scan3A = arith.constant 0 : i32
    %scan3A_14 = arith.constant 0 : i32
    %scan3A_15 = arith.constant 3 : i32
    %scan3A_16 = arith.addi %scan3A_14, %scan3A_15 : i32
    %scan3A_17 = arith.constant 1 : i32
    scf.for %scan3A_19 = %scan3A_14 to %scan3A_16 step %scan3A_17  : i32 {
      %mul3A_20 = arith.constant 2 : i32
      %mul3A_21 = arith.muli %mul3A_20, %scan3A_19 : i32
      %add3A_22 = arith.constant 1 : i32
      %add3A_23 = arith.addi %mul3A_21, %add3A_22 : i32
      %mul3A_24 = arith.constant 80 : i32
      %mul3A_25 = arith.muli %mul3A_21, %mul3A_24 : i32
      %dma_wait3A = tpu.memref_slice %arg5[%mul3A_25] : memref<480xi32, #tpu.memory_space<vmem>> -> memref<80xi32, #tpu.memory_space<vmem>>
      %dma_wait3A_26 = arith.constant 0 : i32
      %dma_wait3A_27 = arith.constant 0 : i32
      %dma_wait3A_28 = tpu.memref_slice %arg2[%dma_wait3A_26, %dma_wait3A_27] : memref<1000x128xf32, #tpu.memory_space<hbm>> -> memref<1000x128xf32, #tpu.memory_space<hbm>>
      tpu.wait_indirect_dma semaphore(%arg8 : memref<!tpu.dma_semaphore, #tpu.memory_space<semaphore_mem>>) src(%dma_wait3A_28 : memref<1000x128xf32, #tpu.memory_space<hbm>>) dst(%arg6 : memref<80x128xf32, #tpu.memory_space<vmem>>)
      %mul3A_29 = arith.constant 80 : i32
      %mul3A_30 = arith.muli %mul3A_21, %mul3A_29 : i32
      %add3A_31 = arith.addi %mul3A_2, %mul3A_30 : i32
      %dma_start3A_32 = arith.constant 0 : i32
      %dma_start3A_33 = tpu.memref_slice %arg4[%add3A_31, %dma_start3A_32] : memref<15360x128xf32, #tpu.memory_space<hbm>> -> memref<80x128xf32, #tpu.memory_space<hbm>>
      %dma_start3A_34 = arith.constant 0 : i32
      %dma_start3A_35 = tpu.memref_slice %arg4[%add3A_31, %dma_start3A_34] : memref<15360x128xf32, #tpu.memory_space<hbm>> -> memref<80x128xf32, #tpu.memory_space<hbm>>
      tpu.enqueue_dma source(%arg6 : memref<80x128xf32, #tpu.memory_space<vmem>>) target(%dma_start3A_35 : memref<80x128xf32, #tpu.memory_space<hbm>>) target_semaphore(%arg10 : memref<!tpu.dma_semaphore, #tpu.memory_space<semaphore_mem>>)
      %mul3A_36 = arith.constant 80 : i32
      %mul3A_37 = arith.muli %add3A_23, %mul3A_36 : i32
      %dma_wait3A_38 = tpu.memref_slice %arg5[%mul3A_37] : memref<480xi32, #tpu.memory_space<vmem>> -> memref<80xi32, #tpu.memory_space<vmem>>
      %dma_wait3A_39 = arith.constant 0 : i32
      %dma_wait3A_40 = arith.constant 0 : i32
      %dma_wait3A_41 = tpu.memref_slice %arg2[%dma_wait3A_39, %dma_wait3A_40] : memref<1000x128xf32, #tpu.memory_space<hbm>> -> memref<1000x128xf32, #tpu.memory_space<hbm>>
      tpu.wait_indirect_dma semaphore(%arg9 : memref<!tpu.dma_semaphore, #tpu.memory_space<semaphore_mem>>) src(%dma_wait3A_41 : memref<1000x128xf32, #tpu.memory_space<hbm>>) dst(%arg7 : memref<80x128xf32, #tpu.memory_space<vmem>>)
      %mul3A_42 = arith.constant 80 : i32
      %mul3A_43 = arith.muli %mul3A_21, %mul3A_42 : i32
      %add3A_44 = arith.addi %mul3A_2, %mul3A_43 : i32
      %dma_wait3A_45 = arith.constant 0 : i32
      %dma_wait3A_46 = tpu.memref_slice %arg4[%add3A_44, %dma_wait3A_45] : memref<15360x128xf32, #tpu.memory_space<hbm>> -> memref<80x128xf32, #tpu.memory_space<hbm>>
      %dma_wait3A_47 = arith.constant 0 : i32
      %dma_wait3A_48 = tpu.memref_slice %arg4[%add3A_44, %dma_wait3A_47] : memref<15360x128xf32, #tpu.memory_space<hbm>> -> memref<80x128xf32, #tpu.memory_space<hbm>>
      tpu.wait_dma2 semaphore(%arg10 : memref<!tpu.dma_semaphore, #tpu.memory_space<semaphore_mem>>) src(%arg6 : memref<80x128xf32, #tpu.memory_space<vmem>>) dst(%dma_wait3A_48 : memref<80x128xf32, #tpu.memory_space<hbm>>)
      %add3A_49 = arith.constant 2 : i32
      %add3A_50 = arith.addi %mul3A_21, %add3A_49 : i32
      %lt3A = arith.constant 6 : i32
      %lt3A_51 = arith.cmpi slt, %add3A_50, %lt3A : i32
      %convert_element_type3A = arith.extui %lt3A_51 : i1 to i32
      %cond3A = arith.constant 0 : i32
      %cond3A_52 = arith.cmpi ne, %convert_element_type3A, %cond3A : i32
      scf.if %cond3A_52 {
        %add3A_74 = arith.constant 2 : i32
        %add3A_75 = arith.addi %mul3A_21, %add3A_74 : i32
        %mul3A_76 = arith.constant 80 : i32
        %mul3A_77 = arith.muli %add3A_75, %mul3A_76 : i32
        %dma_start3A_78 = tpu.memref_slice %arg5[%mul3A_77] : memref<480xi32, #tpu.memory_space<vmem>> -> memref<80xi32, #tpu.memory_space<vmem>>
        %dma_start3A_79 = arith.constant 0 : i32
        %dma_start3A_80 = arith.constant 0 : i32
        %dma_start3A_81 = tpu.memref_slice %arg2[%dma_start3A_79, %dma_start3A_80] : memref<1000x128xf32, #tpu.memory_space<hbm>> -> memref<1000x128xf32, #tpu.memory_space<hbm>>
        tpu.enqueue_indirect_dma source(%dma_start3A_81 : memref<1000x128xf32, #tpu.memory_space<hbm>>) target(%arg6 : memref<80x128xf32, #tpu.memory_space<vmem>>) offsets(%dma_start3A_78 : memref<80xi32, #tpu.memory_space<vmem>>) semaphore(%arg8 : memref<!tpu.dma_semaphore, #tpu.memory_space<semaphore_mem>>)
      } else {
      }
      %mul3A_53 = arith.constant 80 : i32
      %mul3A_54 = arith.muli %add3A_23, %mul3A_53 : i32
      %add3A_55 = arith.addi %mul3A_2, %mul3A_54 : i32
      %dma_start3A_56 = arith.constant 0 : i32
      %dma_start3A_57 = tpu.memref_slice %arg4[%add3A_55, %dma_start3A_56] : memref<15360x128xf32, #tpu.memory_space<hbm>> -> memref<80x128xf32, #tpu.memory_space<hbm>>
      %dma_start3A_58 = arith.constant 0 : i32
      %dma_start3A_59 = tpu.memref_slice %arg4[%add3A_55, %dma_start3A_58] : memref<15360x128xf32, #tpu.memory_space<hbm>> -> memref<80x128xf32, #tpu.memory_space<hbm>>
      tpu.enqueue_dma source(%arg7 : memref<80x128xf32, #tpu.memory_space<vmem>>) target(%dma_start3A_59 : memref<80x128xf32, #tpu.memory_space<hbm>>) target_semaphore(%arg11 : memref<!tpu.dma_semaphore, #tpu.memory_space<semaphore_mem>>)
      %mul3A_60 = arith.constant 80 : i32
      %mul3A_61 = arith.muli %add3A_23, %mul3A_60 : i32
      %add3A_62 = arith.addi %mul3A_2, %mul3A_61 : i32
      %dma_wait3A_63 = arith.constant 0 : i32
      %dma_wait3A_64 = tpu.memref_slice %arg4[%add3A_62, %dma_wait3A_63] : memref<15360x128xf32, #tpu.memory_space<hbm>> -> memref<80x128xf32, #tpu.memory_space<hbm>>
      %dma_wait3A_65 = arith.constant 0 : i32
      %dma_wait3A_66 = tpu.memref_slice %arg4[%add3A_62, %dma_wait3A_65] : memref<15360x128xf32, #tpu.memory_space<hbm>> -> memref<80x128xf32, #tpu.memory_space<hbm>>
      tpu.wait_dma2 semaphore(%arg11 : memref<!tpu.dma_semaphore, #tpu.memory_space<semaphore_mem>>) src(%arg7 : memref<80x128xf32, #tpu.memory_space<vmem>>) dst(%dma_wait3A_66 : memref<80x128xf32, #tpu.memory_space<hbm>>)
      %add3A_67 = arith.constant 2 : i32
      %add3A_68 = arith.addi %add3A_23, %add3A_67 : i32
      %lt3A_69 = arith.constant 6 : i32
      %lt3A_70 = arith.cmpi slt, %add3A_68, %lt3A_69 : i32
      %convert_element_type3A_71 = arith.extui %lt3A_70 : i1 to i32
      %cond3A_72 = arith.constant 0 : i32
      %cond3A_73 = arith.cmpi ne, %convert_element_type3A_71, %cond3A_72 : i32
      scf.if %cond3A_73 {
        %add3A_74 = arith.constant 2 : i32
        %add3A_75 = arith.addi %add3A_23, %add3A_74 : i32
        %mul3A_76 = arith.constant 80 : i32
        %mul3A_77 = arith.muli %add3A_75, %mul3A_76 : i32
        %dma_start3A_78 = tpu.memref_slice %arg5[%mul3A_77] : memref<480xi32, #tpu.memory_space<vmem>> -> memref<80xi32, #tpu.memory_space<vmem>>
        %dma_start3A_79 = arith.constant 0 : i32
        %dma_start3A_80 = arith.constant 0 : i32
        %dma_start3A_81 = tpu.memref_slice %arg2[%dma_start3A_79, %dma_start3A_80] : memref<1000x128xf32, #tpu.memory_space<hbm>> -> memref<1000x128xf32, #tpu.memory_space<hbm>>
        tpu.enqueue_indirect_dma source(%dma_start3A_81 : memref<1000x128xf32, #tpu.memory_space<hbm>>) target(%arg7 : memref<80x128xf32, #tpu.memory_space<vmem>>) offsets(%dma_start3A_78 : memref<80xi32, #tpu.memory_space<vmem>>) semaphore(%arg9 : memref<!tpu.dma_semaphore, #tpu.memory_space<semaphore_mem>>)
      } else {
      }
    }
    %scan3A_18 = arith.constant 3 : i32
    return
  }
}

#map = affine_map<(d0, d1) -> (0, 0)>
#map1 = affine_map<(d0, d1) -> (0)>
module attributes {stable_mosaic.version = 14 : i64} {
  func.func @gather(%arg0: i32, %arg1: i32, %arg2: memref<1000x128xf32, #tpu.memory_space<hbm>>, %arg3: memref<51200xi32, #tpu.memory_space<hbm>>, %arg4: memref<25600x128xf32, #tpu.memory_space<hbm>>, %arg5: memref<800xi32, #tpu.memory_space<vmem>>, %arg6: memref<80x128xf32, #tpu.memory_space<vmem>>, %arg7: memref<80x128xf32, #tpu.memory_space<vmem>>, %arg8: memref<!tpu.dma_semaphore, #tpu.memory_space<semaphore_mem>>, %arg9: memref<!tpu.dma_semaphore, #tpu.memory_space<semaphore_mem>>, %arg10: memref<!tpu.dma_semaphore, #tpu.memory_space<semaphore_mem>>, %arg11: memref<!tpu.dma_semaphore, #tpu.memory_space<semaphore_mem>>) attributes {dimension_semantics = [#tpu.dimension_semantics<core_parallel>, #tpu.dimension_semantics<subcore_parallel>], iteration_bounds = array<i64: 2, 16>, scalar_prefetch = 0 : i64, scratch_operands = 7 : i64, tpu.core_type = #tpu.core_type<sc_vector_subcore>, window_params = [{transform_indices = #map}, {transform_indices = #map1}, {transform_indices = #map}]} {
    %mul3A = arith.constant 2 : i32
    %mul3A_0 = arith.muli %arg1, %mul3A : i32
    %add3A = arith.addi %mul3A_0, %arg0 : i32
    %mul3A_1 = arith.constant 800 : i32
    %mul3A_2 = arith.muli %add3A, %mul3A_1 : i32
    %add3A_3 = arith.constant 25600 : i32
    %add3A_4 = arith.addi %add3A_3, %mul3A_2 : i32
    "tpu.region"() ({
      %run_scoped3A = tpu.sem_alloc : memref<!tpu.dma_semaphore, #tpu.memory_space<semaphore_mem>>
      %dma_start3A_19 = tpu.memref_slice %arg3[%add3A_4] : memref<51200xi32, #tpu.memory_space<hbm>> -> memref<800xi32, #tpu.memory_space<hbm>>
      %dma_start3A_20 = tpu.memref_slice %arg3[%add3A_4] : memref<51200xi32, #tpu.memory_space<hbm>> -> memref<800xi32, #tpu.memory_space<hbm>>
      tpu.enqueue_dma source(%dma_start3A_20 : memref<800xi32, #tpu.memory_space<hbm>>) target(%arg5 : memref<800xi32, #tpu.memory_space<vmem>>) target_semaphore(%run_scoped3A : memref<!tpu.dma_semaphore, #tpu.memory_space<semaphore_mem>>)
      %dma_wait3A = tpu.memref_slice %arg3[%add3A_4] : memref<51200xi32, #tpu.memory_space<hbm>> -> memref<800xi32, #tpu.memory_space<hbm>>
      %dma_wait3A_21 = tpu.memref_slice %arg3[%add3A_4] : memref<51200xi32, #tpu.memory_space<hbm>> -> memref<800xi32, #tpu.memory_space<hbm>>
      tpu.wait_dma2 semaphore(%run_scoped3A : memref<!tpu.dma_semaphore, #tpu.memory_space<semaphore_mem>>) src(%dma_wait3A_21 : memref<800xi32, #tpu.memory_space<hbm>>) dst(%arg5 : memref<800xi32, #tpu.memory_space<vmem>>)
      tpu.yield
    }) : () -> ()
    %dma_start3A = arith.constant 0 : i32
    %dma_start3A_5 = tpu.memref_slice %arg5[%dma_start3A] : memref<800xi32, #tpu.memory_space<vmem>> -> memref<80xi32, #tpu.memory_space<vmem>>
    %dma_start3A_6 = arith.constant 0 : i32
    %dma_start3A_7 = arith.constant 0 : i32
    %dma_start3A_8 = tpu.memref_slice %arg2[%dma_start3A_6, %dma_start3A_7] : memref<1000x128xf32, #tpu.memory_space<hbm>> -> memref<1000x128xf32, #tpu.memory_space<hbm>>
    tpu.enqueue_indirect_dma source(%dma_start3A_8 : memref<1000x128xf32, #tpu.memory_space<hbm>>) target(%arg6 : memref<80x128xf32, #tpu.memory_space<vmem>>) offsets(%dma_start3A_5 : memref<80xi32, #tpu.memory_space<vmem>>) semaphore(%arg8 : memref<!tpu.dma_semaphore, #tpu.memory_space<semaphore_mem>>)
    %dma_start3A_9 = arith.constant 80 : i32
    %dma_start3A_10 = tpu.memref_slice %arg5[%dma_start3A_9] : memref<800xi32, #tpu.memory_space<vmem>> -> memref<80xi32, #tpu.memory_space<vmem>>
    %dma_start3A_11 = arith.constant 0 : i32
    %dma_start3A_12 = arith.constant 0 : i32
    %dma_start3A_13 = tpu.memref_slice %arg2[%dma_start3A_11, %dma_start3A_12] : memref<1000x128xf32, #tpu.memory_space<hbm>> -> memref<1000x128xf32, #tpu.memory_space<hbm>>
    tpu.enqueue_indirect_dma source(%dma_start3A_13 : memref<1000x128xf32, #tpu.memory_space<hbm>>) target(%arg7 : memref<80x128xf32, #tpu.memory_space<vmem>>) offsets(%dma_start3A_10 : memref<80xi32, #tpu.memory_space<vmem>>) semaphore(%arg9 : memref<!tpu.dma_semaphore, #tpu.memory_space<semaphore_mem>>)
    %scan3A = arith.constant 0 : i32
    %scan3A_14 = arith.constant 0 : i32
    %scan3A_15 = arith.constant 5 : i32
    %scan3A_16 = arith.addi %scan3A_14, %scan3A_15 : i32
    %scan3A_17 = arith.constant 1 : i32
    scf.for %scan3A_19 = %scan3A_14 to %scan3A_16 step %scan3A_17  : i32 {
      %mul3A_20 = arith.constant 2 : i32
      %mul3A_21 = arith.muli %mul3A_20, %scan3A_19 : i32
      %add3A_22 = arith.constant 1 : i32
      %add3A_23 = arith.addi %mul3A_21, %add3A_22 : i32
      %mul3A_24 = arith.constant 80 : i32
      %mul3A_25 = arith.muli %mul3A_21, %mul3A_24 : i32
      %dma_wait3A = tpu.memref_slice %arg5[%mul3A_25] : memref<800xi32, #tpu.memory_space<vmem>> -> memref<80xi32, #tpu.memory_space<vmem>>
      %dma_wait3A_26 = arith.constant 0 : i32
      %dma_wait3A_27 = arith.constant 0 : i32
      %dma_wait3A_28 = tpu.memref_slice %arg2[%dma_wait3A_26, %dma_wait3A_27] : memref<1000x128xf32, #tpu.memory_space<hbm>> -> memref<1000x128xf32, #tpu.memory_space<hbm>>
      tpu.wait_indirect_dma semaphore(%arg8 : memref<!tpu.dma_semaphore, #tpu.memory_space<semaphore_mem>>) src(%dma_wait3A_28 : memref<1000x128xf32, #tpu.memory_space<hbm>>) dst(%arg6 : memref<80x128xf32, #tpu.memory_space<vmem>>)
      %mul3A_29 = arith.constant 80 : i32
      %mul3A_30 = arith.muli %mul3A_21, %mul3A_29 : i32
      %add3A_31 = arith.addi %mul3A_2, %mul3A_30 : i32
      %dma_start3A_32 = arith.constant 0 : i32
      %dma_start3A_33 = tpu.memref_slice %arg4[%add3A_31, %dma_start3A_32] : memref<25600x128xf32, #tpu.memory_space<hbm>> -> memref<80x128xf32, #tpu.memory_space<hbm>>
      %dma_start3A_34 = arith.constant 0 : i32
      %dma_start3A_35 = tpu.memref_slice %arg4[%add3A_31, %dma_start3A_34] : memref<25600x128xf32, #tpu.memory_space<hbm>> -> memref<80x128xf32, #tpu.memory_space<hbm>>
      tpu.enqueue_dma source(%arg6 : memref<80x128xf32, #tpu.memory_space<vmem>>) target(%dma_start3A_35 : memref<80x128xf32, #tpu.memory_space<hbm>>) target_semaphore(%arg10 : memref<!tpu.dma_semaphore, #tpu.memory_space<semaphore_mem>>)
      %mul3A_36 = arith.constant 80 : i32
      %mul3A_37 = arith.muli %add3A_23, %mul3A_36 : i32
      %dma_wait3A_38 = tpu.memref_slice %arg5[%mul3A_37] : memref<800xi32, #tpu.memory_space<vmem>> -> memref<80xi32, #tpu.memory_space<vmem>>
      %dma_wait3A_39 = arith.constant 0 : i32
      %dma_wait3A_40 = arith.constant 0 : i32
      %dma_wait3A_41 = tpu.memref_slice %arg2[%dma_wait3A_39, %dma_wait3A_40] : memref<1000x128xf32, #tpu.memory_space<hbm>> -> memref<1000x128xf32, #tpu.memory_space<hbm>>
      tpu.wait_indirect_dma semaphore(%arg9 : memref<!tpu.dma_semaphore, #tpu.memory_space<semaphore_mem>>) src(%dma_wait3A_41 : memref<1000x128xf32, #tpu.memory_space<hbm>>) dst(%arg7 : memref<80x128xf32, #tpu.memory_space<vmem>>)
      %mul3A_42 = arith.constant 80 : i32
      %mul3A_43 = arith.muli %mul3A_21, %mul3A_42 : i32
      %add3A_44 = arith.addi %mul3A_2, %mul3A_43 : i32
      %dma_wait3A_45 = arith.constant 0 : i32
      %dma_wait3A_46 = tpu.memref_slice %arg4[%add3A_44, %dma_wait3A_45] : memref<25600x128xf32, #tpu.memory_space<hbm>> -> memref<80x128xf32, #tpu.memory_space<hbm>>
      %dma_wait3A_47 = arith.constant 0 : i32
      %dma_wait3A_48 = tpu.memref_slice %arg4[%add3A_44, %dma_wait3A_47] : memref<25600x128xf32, #tpu.memory_space<hbm>> -> memref<80x128xf32, #tpu.memory_space<hbm>>
      tpu.wait_dma2 semaphore(%arg10 : memref<!tpu.dma_semaphore, #tpu.memory_space<semaphore_mem>>) src(%arg6 : memref<80x128xf32, #tpu.memory_space<vmem>>) dst(%dma_wait3A_48 : memref<80x128xf32, #tpu.memory_space<hbm>>)
      %add3A_49 = arith.constant 2 : i32
      %add3A_50 = arith.addi %mul3A_21, %add3A_49 : i32
      %lt3A = arith.constant 10 : i32
      %lt3A_51 = arith.cmpi slt, %add3A_50, %lt3A : i32
      %convert_element_type3A = arith.extui %lt3A_51 : i1 to i32
      %cond3A = arith.constant 0 : i32
      %cond3A_52 = arith.cmpi ne, %convert_element_type3A, %cond3A : i32
      scf.if %cond3A_52 {
        %add3A_74 = arith.constant 2 : i32
        %add3A_75 = arith.addi %mul3A_21, %add3A_74 : i32
        %mul3A_76 = arith.constant 80 : i32
        %mul3A_77 = arith.muli %add3A_75, %mul3A_76 : i32
        %dma_start3A_78 = tpu.memref_slice %arg5[%mul3A_77] : memref<800xi32, #tpu.memory_space<vmem>> -> memref<80xi32, #tpu.memory_space<vmem>>
        %dma_start3A_79 = arith.constant 0 : i32
        %dma_start3A_80 = arith.constant 0 : i32
        %dma_start3A_81 = tpu.memref_slice %arg2[%dma_start3A_79, %dma_start3A_80] : memref<1000x128xf32, #tpu.memory_space<hbm>> -> memref<1000x128xf32, #tpu.memory_space<hbm>>
        tpu.enqueue_indirect_dma source(%dma_start3A_81 : memref<1000x128xf32, #tpu.memory_space<hbm>>) target(%arg6 : memref<80x128xf32, #tpu.memory_space<vmem>>) offsets(%dma_start3A_78 : memref<80xi32, #tpu.memory_space<vmem>>) semaphore(%arg8 : memref<!tpu.dma_semaphore, #tpu.memory_space<semaphore_mem>>)
      } else {
      }
      %mul3A_53 = arith.constant 80 : i32
      %mul3A_54 = arith.muli %add3A_23, %mul3A_53 : i32
      %add3A_55 = arith.addi %mul3A_2, %mul3A_54 : i32
      %dma_start3A_56 = arith.constant 0 : i32
      %dma_start3A_57 = tpu.memref_slice %arg4[%add3A_55, %dma_start3A_56] : memref<25600x128xf32, #tpu.memory_space<hbm>> -> memref<80x128xf32, #tpu.memory_space<hbm>>
      %dma_start3A_58 = arith.constant 0 : i32
      %dma_start3A_59 = tpu.memref_slice %arg4[%add3A_55, %dma_start3A_58] : memref<25600x128xf32, #tpu.memory_space<hbm>> -> memref<80x128xf32, #tpu.memory_space<hbm>>
      tpu.enqueue_dma source(%arg7 : memref<80x128xf32, #tpu.memory_space<vmem>>) target(%dma_start3A_59 : memref<80x128xf32, #tpu.memory_space<hbm>>) target_semaphore(%arg11 : memref<!tpu.dma_semaphore, #tpu.memory_space<semaphore_mem>>)
      %mul3A_60 = arith.constant 80 : i32
      %mul3A_61 = arith.muli %add3A_23, %mul3A_60 : i32
      %add3A_62 = arith.addi %mul3A_2, %mul3A_61 : i32
      %dma_wait3A_63 = arith.constant 0 : i32
      %dma_wait3A_64 = tpu.memref_slice %arg4[%add3A_62, %dma_wait3A_63] : memref<25600x128xf32, #tpu.memory_space<hbm>> -> memref<80x128xf32, #tpu.memory_space<hbm>>
      %dma_wait3A_65 = arith.constant 0 : i32
      %dma_wait3A_66 = tpu.memref_slice %arg4[%add3A_62, %dma_wait3A_65] : memref<25600x128xf32, #tpu.memory_space<hbm>> -> memref<80x128xf32, #tpu.memory_space<hbm>>
      tpu.wait_dma2 semaphore(%arg11 : memref<!tpu.dma_semaphore, #tpu.memory_space<semaphore_mem>>) src(%arg7 : memref<80x128xf32, #tpu.memory_space<vmem>>) dst(%dma_wait3A_66 : memref<80x128xf32, #tpu.memory_space<hbm>>)
      %add3A_67 = arith.constant 2 : i32
      %add3A_68 = arith.addi %add3A_23, %add3A_67 : i32
      %lt3A_69 = arith.constant 10 : i32
      %lt3A_70 = arith.cmpi slt, %add3A_68, %lt3A_69 : i32
      %convert_element_type3A_71 = arith.extui %lt3A_70 : i1 to i32
      %cond3A_72 = arith.constant 0 : i32
      %cond3A_73 = arith.cmpi ne, %convert_element_type3A_71, %cond3A_72 : i32
      scf.if %cond3A_73 {
        %add3A_74 = arith.constant 2 : i32
        %add3A_75 = arith.addi %add3A_23, %add3A_74 : i32
        %mul3A_76 = arith.constant 80 : i32
        %mul3A_77 = arith.muli %add3A_75, %mul3A_76 : i32
        %dma_start3A_78 = tpu.memref_slice %arg5[%mul3A_77] : memref<800xi32, #tpu.memory_space<vmem>> -> memref<80xi32, #tpu.memory_space<vmem>>
        %dma_start3A_79 = arith.constant 0 : i32
        %dma_start3A_80 = arith.constant 0 : i32
        %dma_start3A_81 = tpu.memref_slice %arg2[%dma_start3A_79, %dma_start3A_80] : memref<1000x128xf32, #tpu.memory_space<hbm>> -> memref<1000x128xf32, #tpu.memory_space<hbm>>
        tpu.enqueue_indirect_dma source(%dma_start3A_81 : memref<1000x128xf32, #tpu.memory_space<hbm>>) target(%arg7 : memref<80x128xf32, #tpu.memory_space<vmem>>) offsets(%dma_start3A_78 : memref<80xi32, #tpu.memory_space<vmem>>) semaphore(%arg9 : memref<!tpu.dma_semaphore, #tpu.memory_space<semaphore_mem>>)
      } else {
      }
    }
    %scan3A_18 = arith.constant 5 : i32
    return
  }
}

module attributes {stable_mosaic.version = 14 : i64} {
  func.func @_matmul_alias_body(%arg0: i32, %arg1: memref<1x1024x128xf32, #tpu.memory_space<vmem>>, %arg2: memref<1000x128xf32, #tpu.memory_space<vmem>>, %arg3: memref<50x1000x1024xf32, #tpu.memory_space<any>>, %arg4: memref<1x1000x1024xf32, #tpu.memory_space<vmem>>) attributes {dimension_semantics = [#tpu.dimension_semantics<arbitrary>], iteration_bounds = array<i64: 25>, scalar_prefetch = 0 : i64, scratch_operands = 0 : i64, tpu.core_type = #tpu.core_type<tc>, window_params = [{transform_indices = @transform_0, window_bounds = array<i64: 1, 1024, 128>}, {pipeline_mode = #tpu.pipeline_mode<synchronous>, transform_indices = @transform_1, window_bounds = array<i64: 1000, 128>}, {}, {transform_indices = @transform_3, window_bounds = array<i64: 1, 1000, 1024>}]} {
    %get3A = arith.constant 0 : index
    %get3A_0 = arith.constant 0 : index
    %get3A_1 = arith.constant 0 : index
    %get3A_2 = vector.load %arg1[%get3A, %get3A_0, %get3A_1] : memref<1x1024x128xf32, #tpu.memory_space<vmem>>, vector<1x1024x128xf32>
    %get3A_3 = vector.shape_cast %get3A_2 : vector<1x1024x128xf32> to vector<1024x128xf32>
    %convert_element_type3A = arith.truncf %get3A_3 : vector<1024x128xf32> to vector<1024x128xbf16>
    %get3A_4 = arith.constant 0 : index
    %get3A_5 = arith.constant 0 : index
    %get3A_6 = vector.load %arg2[%get3A_4, %get3A_5] : memref<1000x128xf32, #tpu.memory_space<vmem>>, vector<1000x128xf32>
    %convert_element_type3A_7 = arith.truncf %get3A_6 : vector<1000x128xf32> to vector<1000x128xbf16>
    %dot_general3A = arith.constant dense<0.000000e+00> : vector<1000x1024xf32>
    %dot_general3A_8 = tpu.matmul %convert_element_type3A_7, %convert_element_type3A, %dot_general3A {dimension_numbers = #tpu.dot_dimension_numbers<[1], [1], [0], [0], [0, 0, 1, 0], [], []>, transpose_lhs_hint = false} : vector<1000x128xbf16>, vector<1024x128xbf16>, vector<1000x1024xf32> -> vector<1000x1024xf32>
    %swap3A = arith.constant 0 : index
    %swap3A_9 = arith.constant 0 : index
    %swap3A_10 = arith.constant 0 : index
    %swap3A_11 = vector.load %arg4[%swap3A, %swap3A_9, %swap3A_10] : memref<1x1000x1024xf32, #tpu.memory_space<vmem>>, vector<1x1000x1024xf32>
    %swap3A_12 = vector.shape_cast %swap3A_11 : vector<1x1000x1024xf32> to vector<1000x1024xf32>
    %swap3A_13 = vector.shape_cast %dot_general3A_8 : vector<1000x1024xf32> to vector<1x1000x1024xf32>
    tpu.vector_store %arg4[%swap3A, %swap3A_9, %swap3A_10], %swap3A_13 {strides = array<i32>} : memref<1x1000x1024xf32, #tpu.memory_space<vmem>>, vector<1x1000x1024xf32>,
    return
  }
  func.func @transform_0(%arg0: i32) -> (i32, i32, i32) {
    %c0_i32 = arith.constant 0 : i32
    %c0_i32_0 = arith.constant 0 : i32
    %c0_i32_1 = arith.constant 0 : i32
    return %arg0, %c0_i32, %c0_i32_0 : i32, i32, i32
  }
  func.func @transform_1(%arg0: i32) -> (i32, i32) {
    %c0_i32 = arith.constant 0 : i32
    %c0_i32_0 = arith.constant 0 : i32
    %c0_i32_1 = arith.constant 0 : i32
    return %c0_i32, %c0_i32_0 : i32, i32
  }
  func.func @transform_3(%arg0: i32) -> (i32, i32, i32) {
    %add3A = arith.constant 25 : i32
    %add3A_0 = arith.addi %arg0, %add3A : i32
    %c0_i32 = arith.constant 0 : i32
    %c0_i32_1 = arith.constant 0 : i32
    %c0_i32_2 = arith.constant 0 : i32
    return %add3A_0, %c0_i32, %c0_i32_1 : i32, i32, i32
  }
}

module attributes {stable_mosaic.version = 14 : i64} {
  func.func @_matmul_body(%arg0: i32, %arg1: memref<1x1024x128xf32, #tpu.memory_space<vmem>>, %arg2: memref<1000x128xf32, #tpu.memory_space<vmem>>, %arg3: memref<1x1000x1024xf32, #tpu.memory_space<vmem>>) attributes {dimension_semantics = [#tpu.dimension_semantics<arbitrary>], iteration_bounds = array<i64: 10>, scalar_prefetch = 0 : i64, scratch_operands = 0 : i64, tpu.core_type = #tpu.core_type<tc>, window_params = [{transform_indices = @transform_0, window_bounds = array<i64: 1, 1024, 128>}, {pipeline_mode = #tpu.pipeline_mode<synchronous>, transform_indices = @transform_1, window_bounds = array<i64: 1000, 128>}, {transform_indices = @transform_2, window_bounds = array<i64: 1, 1000, 1024>}]} {
    %get3A = arith.constant 0 : index
    %get3A_0 = arith.constant 0 : index
    %get3A_1 = arith.constant 0 : index
    %get3A_2 = vector.load %arg1[%get3A, %get3A_0, %get3A_1] : memref<1x1024x128xf32, #tpu.memory_space<vmem>>, vector<1x1024x128xf32>
    %get3A_3 = vector.shape_cast %get3A_2 : vector<1x1024x128xf32> to vector<1024x128xf32>
    %convert_element_type3A = arith.truncf %get3A_3 : vector<1024x128xf32> to vector<1024x128xbf16>
    %get3A_4 = arith.constant 0 : index
    %get3A_5 = arith.constant 0 : index
    %get3A_6 = vector.load %arg2[%get3A_4, %get3A_5] : memref<1000x128xf32, #tpu.memory_space<vmem>>, vector<1000x128xf32>
    %convert_element_type3A_7 = arith.truncf %get3A_6 : vector<1000x128xf32> to vector<1000x128xbf16>
    %dot_general3A = arith.constant dense<0.000000e+00> : vector<1000x1024xf32>
    %dot_general3A_8 = tpu.matmul %convert_element_type3A_7, %convert_element_type3A, %dot_general3A {dimension_numbers = #tpu.dot_dimension_numbers<[1], [1], [0], [0], [0, 0, 1, 0], [], []>, transpose_lhs_hint = false} : vector<1000x128xbf16>, vector<1024x128xbf16>, vector<1000x1024xf32> -> vector<1000x1024xf32>
    %swap3A = arith.constant 0 : index
    %swap3A_9 = arith.constant 0 : index
    %swap3A_10 = arith.constant 0 : index
    %swap3A_11 = vector.load %arg3[%swap3A, %swap3A_9, %swap3A_10] : memref<1x1000x1024xf32, #tpu.memory_space<vmem>>, vector<1x1000x1024xf32>
    %swap3A_12 = vector.shape_cast %swap3A_11 : vector<1x1000x1024xf32> to vector<1000x1024xf32>
    %swap3A_13 = vector.shape_cast %dot_general3A_8 : vector<1000x1024xf32> to vector<1x1000x1024xf32>
    tpu.vector_store %arg3[%swap3A, %swap3A_9, %swap3A_10], %swap3A_13 {strides = array<i32>} : memref<1x1000x1024xf32, #tpu.memory_space<vmem>>, vector<1x1000x1024xf32>,
    return
  }
  func.func @transform_0(%arg0: i32) -> (i32, i32, i32) {
    %c0_i32 = arith.constant 0 : i32
    %c0_i32_0 = arith.constant 0 : i32
    %c0_i32_1 = arith.constant 0 : i32
    return %arg0, %c0_i32, %c0_i32_0 : i32, i32, i32
  }
  func.func @transform_1(%arg0: i32) -> (i32, i32) {
    %c0_i32 = arith.constant 0 : i32
    %c0_i32_0 = arith.constant 0 : i32
    %c0_i32_1 = arith.constant 0 : i32
    return %c0_i32, %c0_i32_0 : i32, i32
  }
  func.func @transform_2(%arg0: i32) -> (i32, i32, i32) {
    %add3A = arith.constant 0 : i32
    %add3A_0 = arith.addi %arg0, %add3A : i32
    %c0_i32 = arith.constant 0 : i32
    %c0_i32_1 = arith.constant 0 : i32
    %c0_i32_2 = arith.constant 0 : i32
    return %add3A_0, %c0_i32, %c0_i32_1 : i32, i32, i32
  }
}

module attributes {stable_mosaic.version = 14 : i64} {
  func.func @_matmul_alias_body(%arg0: i32, %arg1: memref<1x1024x128xf32, #tpu.memory_space<vmem>>, %arg2: memref<1000x128xf32, #tpu.memory_space<vmem>>, %arg3: memref<50x1000x1024xf32, #tpu.memory_space<any>>, %arg4: memref<1x1000x1024xf32, #tpu.memory_space<vmem>>) attributes {dimension_semantics = [#tpu.dimension_semantics<arbitrary>], iteration_bounds = array<i64: 15>, scalar_prefetch = 0 : i64, scratch_operands = 0 : i64, tpu.core_type = #tpu.core_type<tc>, window_params = [{transform_indices = @transform_0, window_bounds = array<i64: 1, 1024, 128>}, {pipeline_mode = #tpu.pipeline_mode<synchronous>, transform_indices = @transform_1, window_bounds = array<i64: 1000, 128>}, {}, {transform_indices = @transform_3, window_bounds = array<i64: 1, 1000, 1024>}]} {
    %get3A = arith.constant 0 : index
    %get3A_0 = arith.constant 0 : index
    %get3A_1 = arith.constant 0 : index
    %get3A_2 = vector.load %arg1[%get3A, %get3A_0, %get3A_1] : memref<1x1024x128xf32, #tpu.memory_space<vmem>>, vector<1x1024x128xf32>
    %get3A_3 = vector.shape_cast %get3A_2 : vector<1x1024x128xf32> to vector<1024x128xf32>
    %convert_element_type3A = arith.truncf %get3A_3 : vector<1024x128xf32> to vector<1024x128xbf16>
    %get3A_4 = arith.constant 0 : index
    %get3A_5 = arith.constant 0 : index
    %get3A_6 = vector.load %arg2[%get3A_4, %get3A_5] : memref<1000x128xf32, #tpu.memory_space<vmem>>, vector<1000x128xf32>
    %convert_element_type3A_7 = arith.truncf %get3A_6 : vector<1000x128xf32> to vector<1000x128xbf16>
    %dot_general3A = arith.constant dense<0.000000e+00> : vector<1000x1024xf32>
    %dot_general3A_8 = tpu.matmul %convert_element_type3A_7, %convert_element_type3A, %dot_general3A {dimension_numbers = #tpu.dot_dimension_numbers<[1], [1], [0], [0], [0, 0, 1, 0], [], []>, transpose_lhs_hint = false} : vector<1000x128xbf16>, vector<1024x128xbf16>, vector<1000x1024xf32> -> vector<1000x1024xf32>
    %swap3A = arith.constant 0 : index
    %swap3A_9 = arith.constant 0 : index
    %swap3A_10 = arith.constant 0 : index
    %swap3A_11 = vector.load %arg4[%swap3A, %swap3A_9, %swap3A_10] : memref<1x1000x1024xf32, #tpu.memory_space<vmem>>, vector<1x1000x1024xf32>
    %swap3A_12 = vector.shape_cast %swap3A_11 : vector<1x1000x1024xf32> to vector<1000x1024xf32>
    %swap3A_13 = vector.shape_cast %dot_general3A_8 : vector<1000x1024xf32> to vector<1x1000x1024xf32>
    tpu.vector_store %arg4[%swap3A, %swap3A_9, %swap3A_10], %swap3A_13 {strides = array<i32>} : memref<1x1000x1024xf32, #tpu.memory_space<vmem>>, vector<1x1000x1024xf32>,
    return
  }
  func.func @transform_0(%arg0: i32) -> (i32, i32, i32) {
    %c0_i32 = arith.constant 0 : i32
    %c0_i32_0 = arith.constant 0 : i32
    %c0_i32_1 = arith.constant 0 : i32
    return %arg0, %c0_i32, %c0_i32_0 : i32, i32, i32
  }
  func.func @transform_1(%arg0: i32) -> (i32, i32) {
    %c0_i32 = arith.constant 0 : i32
    %c0_i32_0 = arith.constant 0 : i32
    %c0_i32_1 = arith.constant 0 : i32
    return %c0_i32, %c0_i32_0 : i32, i32
  }
  func.func @transform_3(%arg0: i32) -> (i32, i32, i32) {
    %add3A = arith.constant 10 : i32
    %add3A_0 = arith.addi %arg0, %add3A : i32
    %c0_i32 = arith.constant 0 : i32
    %c0_i32_1 = arith.constant 0 : i32
    %c0_i32_2 = arith.constant 0 : i32
    return %add3A_0, %c0_i32, %c0_i32_1 : i32, i32, i32
  }
}

</mosaic_0001>

<sc_bundles>
// kernel: kernel.11.cloned.1.call-start
scs
__scs_entry_jumppad:
0x0: {  	(pc) =	sbr.rel $0x88, $3  }
0x1: {  	(tag) =	ssettag $0x0;
	lr =	simm.s32 $0x1  }
0x2: {  	[smem:$0x3F9F] =	sst lr;
	_ =	strace $0xD0000000  }
0x3: {  	_ = 	snop  }
0x4: {  	_ = 	snop  }
0x5: {  	_ = 	snop  }
0x6: {  	_ = 	snop  }
0x7: {  	_ = 	snop  }
__scs_overlays_trampoline_lowered:
0x8: {  	[smem:$0x3FAE] =	sst s0  }
0x9: {  	[smem:$0x3FAF] =	sst s1  }
0xa: {  	[smem:$0x3FB0] =	sst s2  }
0xb: {  	[smem:$0x3FB1] =	sst s3  }
0xc: {  	[smem:$0x3FB2] =	sst s4  }
0xd: {  	[smem:$0x3FB3] =	sst s5  }
0xe: {  	[smem:$0x3FB4] =	sst s6  }
0xf: {  	[smem:$0x3FB5] =	sst s7  }
0x10: {  	[smem:$0x3FB6] =	sst s8  }
0x11: {  	[smem:$0x3FB7] =	sst s9;
	s0 =	simm.s32 @!p0 $0x0  }
0x12: {  	s1 =	sld [smem:$0x3F9D];
	s0 =	simm.s32 @p0 $0x1  }
0x13: {  	[smem:$0x3FB8] =	sst s0;
	s0 =	simm.s32 @!p1 $0x0  }
0x14: {  	s2 =	sld [smem:$0x3F9C];
	s0 =	simm.s32 @p1 $0x1  }
0x15: {  	[smem:$0x3FB9] =	sst s0;
	s0 =	simm.s32 @!p2 $0x0  }
0x16: {  	s3 =	sld [smem:$0x3FDB];
	s0 =	simm.s32 @p2 $0x1  }
0x17: {  	s4 =	simm.s32 $0x1BF5;
	[smem:$0x3FBB] =	sst s0  }
0x18: {  	s0 =	sld [smem:$0x3F9E];
	_ =	swait.ge [sflag:s4], $0x0  }
0x19: {  	s7 =	sld [smem:$0x3F9F]  }
0x1a: {  	s8 =	sadd.s32 $0xFFFFE003, lr  }
0x1b: {  	s9 =	sadd.s32 $0xFFFFFEF7, lr;
	s5 =	simm.s32 $0xFFFFFFFF;
	p2 =	slt.u32 s8, $0xFFFFF086  }
0x1c: {  	p1 =	slt.u32 s9, $0xF7A;
	s5 =	simm.s32 @!p2 $0x0  }
0x1d: {  	s5 =	simm.s32 @p1 $0x1;
	p0 =	seq.s32 s7, s2  }
0x1e: {  	s7 =	smul.u32 @!p0 $0xF7A, s2;
	p2 =	seq.s32 @!p0 s5, $0x0  }
0x1f: {  	s9 =	smul.u32 $0xF7A, s1;
	s8 =	simm.s32 @!p0 $0x1BF5;
	p2 =	por !p2, p0  }
0x20: {  	[sflag:s8] =	ssyncset.s32 @!p0 $0xFFFFF086;
	s6 =	sadd.s32 @!p0 s3, s7;
	s7 =	simm.s32 @!p0 $0x108  }
0x21: {  	s3 =	sadd.s32 s3, s9;
	s6 =	sadd.s32 @!p0 $0x88, s6;
	s7 =	simm.s32 @p2 $0x1082  }
0x22: {  	[simem:s7], [sflag:s8] =	dma.local @!p0 [hbm:s6], $0xF7A  }
0x23: {  	s9 =	sor.u32 $0xD0000000, s2;
	s6 =	simm.s32 $0x108;
	_ =	swait.ge @!p0 [sflag:s8], $0x0  }
0x24: {  	s3 =	sadd.s32 $0x88, s3;
	s6 =	simm.s32 @!p1 $0x1082;
	[sflag:s4] =	ssyncset.s32 $0xFFFFF086  }
0x25: {  	[simem:s6], [sflag:s4] =	dma.local [hbm:s3], $0xF7A  }
0x26: {  	[smem:$0x3F9F] =	sst s1;
	(tag) =	ssettag s2;
	_ =	strace s9  }
0x27: {  	s1 =	sld [smem:$0x3FAF]  }
0x28: {  	s2 =	sld [smem:$0x3FB0]  }
0x29: {  	s4 =	sld [smem:$0x3FB2]  }
0x2a: {  	p0 =	seq.s32 s5, $0x0;
	s5 =	sld [smem:$0x3FB3]  }
0x2b: {  	s6 =	sld [smem:$0x3FB4]  }
0x2c: {  	s7 =	sld [smem:$0x3FB5]  }
0x2d: {  	s3 =	simm.s32 $0x108;
	s8 =	sld [smem:$0x3FB6]  }
0x2e: {  	s3 =	simm.s32 @!p0 $0x1082;
	s9 =	sld [smem:$0x3FB7]  }
0x2f: {  	lr =	sadd.s32 s0, s3;
	s0 =	sld [smem:$0x3FAE]  }
0x30: {  	s3 =	sld [smem:$0x3FB1]  }
0x31: {  	[smem:$0x3FBA] =	sst s10  }
0x32: {  	s10 =	sld [smem:$0x3FB8];
	_ =	sdelay $0x3  }
0x33: {  	p0 =	seq.s32 s10, $0x1;
	s10 =	sld [smem:$0x3FBA];
	_ =	sdelay $0x3  }
0x34: {  	[smem:$0x3FBA] =	sst s10  }
0x35: {  	s10 =	sld [smem:$0x3FB9];
	_ =	sdelay $0x3  }
0x36: {  	p1 =	seq.s32 s10, $0x1;
	s10 =	sld [smem:$0x3FBA];
	_ =	sdelay $0x3  }
0x37: {  	[smem:$0x3FBA] =	sst s10  }
0x38: {  	s10 =	sld [smem:$0x3FBB]  }
0x39: {  	_ = 	snop;
	(pc) =	sbr.ind lr, $3  }
0x3a: {  	_ = 	snop  }
0x3b: {  	_ = 	snop  }
0x3c: {  	p2 =	seq.s32 s10, $0x1;
	s10 =	sld [smem:$0x3FBA]  }
0x3d: {  	_ =	shalt  }
0x3e: {  	_ =	shalt  }
0x3f: {  	_ =	shalt  }
0x40: {  	_ =	shalt  }
0x41: {  	_ =	shalt  }
0x42: {  	_ =	shalt  }
0x43: {  	_ =	shalt  }
0x44: {  	_ =	shalt  }
0x45: {  	_ =	shalt  }
0x46: {  	_ =	shalt  }
0x47: {  	_ =	shalt  }
0x48: {  	_ =	shalt  }
0x49: {  	_ =	shalt  }
0x4a: {  	_ =	shalt  }
0x4b: {  	_ =	shalt  }
0x4c: {  	_ =	shalt  }
0x4d: {  	_ =	shalt  }
0x4e: {  	_ =	shalt  }
0x4f: {  	_ =	shalt  }
0x50: {  	_ =	shalt  }
0x51: {  	_ =	shalt  }
0x52: {  	_ =	shalt  }
0x53: {  	_ =	shalt  }
0x54: {  	_ =	shalt  }
0x55: {  	_ =	shalt  }
0x56: {  	_ =	shalt  }
0x57: {  	_ =	shalt  }
0x58: {  	_ =	shalt  }
0x59: {  	_ =	shalt  }
0x5a: {  	_ =	shalt  }
0x5b: {  	_ =	shalt  }
0x5c: {  	_ =	shalt  }
0x5d: {  	_ =	shalt  }
0x5e: {  	_ =	shalt  }
0x5f: {  	_ =	shalt  }
0x60: {  	_ =	shalt  }
0x61: {  	_ =	shalt  }
0x62: {  	_ =	shalt  }
0x63: {  	_ =	shalt  }
0x64: {  	_ =	shalt  }
0x65: {  	_ =	shalt  }
0x66: {  	_ =	shalt  }
0x67: {  	_ =	shalt  }
0x68: {  	_ =	shalt  }
0x69: {  	_ =	shalt  }
0x6a: {  	_ =	shalt  }
0x6b: {  	_ =	shalt  }
0x6c: {  	_ =	shalt  }
0x6d: {  	_ =	shalt  }
0x6e: {  	_ =	shalt  }
0x6f: {  	_ =	shalt  }
0x70: {  	_ =	shalt  }
0x71: {  	_ =	shalt  }
0x72: {  	_ =	shalt  }
0x73: {  	_ =	shalt  }
0x74: {  	_ =	shalt  }
0x75: {  	_ =	shalt  }
0x76: {  	_ =	shalt  }
0x77: {  	_ =	shalt  }
0x78: {  	_ =	shalt  }
0x79: {  	_ =	shalt  }
0x7a: {  	_ =	shalt  }
0x7b: {  	_ =	shalt  }
0x7c: {  	_ =	shalt  }
0x7d: {  	_ =	shalt  }
0x7e: {  	_ =	shalt  }
0x7f: {  	_ =	shalt  }
0x80: {  	_ =	shalt  }
0x81: {  	_ =	shalt  }
0x82: {  	_ =	shalt  }
0x83: {  	_ =	shalt  }
0x84: {  	_ =	shalt  }
0x85: {  	_ =	shalt  }
0x86: {  	_ =	shalt  }
0x87: {  	_ =	shalt  }
.Lfunc_end0:
.L_simem_size_0:
called_computation.1_lowered:
.L_overlay_start_0:
0x88: {  	s2 =	sld [smem:$0x3FD9]  }
0x89: {  	s3 =	sld [smem:$0x3FFE];
	_ =	sdelay $0x1  }
0x8a: {  	s1 =	srdreg.scid  }
0x8b: {  	s0 =	sand.u32 $0x1, s1  }
0x8c: {  	s17 =	sshll.u32 s0, $0xA;
	s2 =	sadd.s32 s3, s2  }
0x8d: {  	s2 =	sadd.s32 s2, s17  }
0x8e: {  	[smem:$0x3FC6] =	sst s2  }
0x8f: {  	_ = 	snop  }
0x90: {  	s18 =	sld [smem:$0x3FC8];
	(tm) =	ssettm $0x1  }
0x91: {  	s19 =	sld [smem:$0x3FFB];
	_ =	sdelay $0x3  }
0x92: {  	_ =	strace s19  }
0x93: {  	s2 =	sld [smem:$0x3FFC];
	_ =	sdelay $0x3  }
0x94: {  	_ =	strace s2  }
0x95: {  	s2 =	sld [smem:$0x3FFD];
	_ =	sdelay $0x3  }
0x96: {  	_ =	strace s2  }
0x97: {  	_ =	strace $0x8FFFFFFF  }
0x98: {  	s20 =	sld [smem:$0x3FDB];
	_ =	sdelay $0x1  }
0x99: {  	s4 =	simm.s32 $_scs_section_size  }
0x9a: {  	s5 =	simm.s32 $_size__tile_overlayer_lowered;
	s6 =	simm.s32 $_tile_overlayer_lowered  }
0x9b: {  	s7 =	simm.s32 $0x1BFF;
	s21 =	sshll.u32 s6, $0x1;
	s4 =	sadd.s32 s4, s20  }
0x9c: {  	s22 =	simm.s32 $0x0;
	s5 =	sshll.u32 s5, $0x1;
	s6 =	sadd.s32 s21, s4  }
0x9d: {  	[timem:s22], [sflag:s7] =	dma.local [hbm:s6], s5  }
0x9e: {  	_ =	swait.ge [sflag:s7], s5  }
0x9f: {  	s5 =	ssub.s32 $0x0, s5;
	[sflag:s7] =	ssyncset.done $0x0  }
0xa0: {  	[sflag:s7] =	ssyncadd.s32 s5;
	_ =	sdelay $0x1  }
0xa1: {  	s23 =	simm.s32 $0x1B8B  }
0xa2: {  	_ =	swait.ge [sflag:s23], $0x1  }
0xa3: {  	[sflag:s23] =	ssyncset.done $0x0  }
0xa4: {  	[sflag:s23] =	ssyncadd.s32 $0xFFFFFFFF  }
0xa5: {  	s5 =	sld [smem:$0x0]  }
0xa6: {  	s6 =	sand.u32 $0xFFFFFFFE, s1  }
0xa7: {  	p0 =	sne.s32 s1, s6  }
0xa8: {  	s6 =	sshll.u32 @p0 s6, $0xE  }
0xa9: {  	s6 =	sadd.s32 @p0 $0x11B8D, s6;
	s7 =	sshll.u32 @p0 s5, $0x11  }
0xaa: {  	s6 =	sor.u32 @p0 s7, s6  }
0xab: {  	[sflag:s6] =	ssyncadd.remote.s32 @p0 $0x1;
	_ =	sdelay $0x1  }
0xac: {  	s6 =	simm.s32 @p0 $0x1B8D  }
0xad: {  	_ =	swait.eq @p0 [sflag:s6], $0x1  }
0xae: {  	[sflag:s6] =	ssyncadd.s32 @p0 $0xFFFFFFFF  }
0xaf: {  	s7 =	sshll.u32 @!p0 s1, $0xE  }
0xb0: {  	s7 =	sor.u32 @!p0 $0x4000, s7;
	s6 =	simm.s32 @!p0 $0x1B8D  }
0xb1: {  	s5 =	sshll.u32 @!p0 s5, $0x11;
	s7 =	sadd.s32 @!p0 $0x11B8D, s7;
	_ =	swait.eq @!p0 [sflag:s6], $0x1  }
0xb2: {  	s5 =	sor.u32 @!p0 s5, s7;
	[sflag:s6] =	ssyncadd.s32 @!p0 $0xFFFFFFFF  }
0xb3: {  	s25 =	simm.s32 $0x1B8E;
	s24 =	sld [smem:$0x3FFE];
	[sflag:s5] =	ssyncadd.remote.s32 @!p0 $0x1  }
0xb4: {  	s26 =	simm.s32 $execute0_lowered;
	[smem:$0x3FD2] =	sst s25  }
0xb5: {  	s6 =	sshll.u32 s26, $0x1;
	_ =	strace $0x80000049;
	[dreg:$0x1] =	wrdreg $0xFFFFFFFF  }
0xb6: {  	s28 =	simm.s32 $_size_execute0_lowered;
	s4 =	sadd.s32 s4, s6;
	[dreg:$0x0] =	wrdreg $0x0  }
0xb7: {  	s6 =	sshll.u32 s28, $0x1;
	[dreg:$0x2] =	wrdreg s4  }
0xb8: {  	[dreg:$0x3] =	wrdreg s6  }
0xb9: {  	[dreg:$0x4] =	wrdreg $0xC0  }
0xba: {  	_ =	task [dreg:s22], $0x5FFFF  }
0xbb: {  	[dreg:$0x1] =	wrdreg $0xFFFFFFFF  }
0xbc: {  	[dreg:$0x0] =	wrdreg $0x60  }
0xbd: {  	[dreg:$0x2] =	wrdreg s18  }
0xbe: {  	[dreg:$0x3] =	wrdreg s24  }
0xbf: {  	[dreg:$0x4] =	wrdreg $0xA  }
0xc0: {  	_ =	task.clear_ibuf [dreg:s22], $0x5FFFF;
	_ =	strace $0x90000049  }
0xc1: {  	s29 =	simm.s32 $0xA;
	_ =	strace $0x8000004B  }
0xc2: {  	_ =	swait.ge [sflag:s29], $0x1  }
0xc3: {  	[sflag:s29] =	ssyncadd.s32 $0xFFFFFFFF  }
0xc4: {  	_ =	strace $0x9000004B  }
0xc5: {  	_ =	sfence  }
0xc6: {  	s30 =	sld [smem:$0x0];
	_ =	sdelay $0x2  }
0xc7: {  	s31 =	sshll.u32 s1, $0xD;
	s1 =	sshrl.u32 s1, $0x2  }
0xc8: {  	s4 =	sand.u32 $0x4000, s31;
	s1 =	sadd.s32 s1, s30  }
0xc9: {  	s0 =	sor.u32 s4, s0;
	s1 =	sshll.u32 s1, $0x11  }
0xca: {  	s0 =	sor.u32 s1, s0  }
0xcb: {  	s0 =	sadd.s32 $0x8F2B, s0  }
0xcc: {  	[sflag:s0] =	ssyncadd.remote.s32 $0x1  }
0xcd: {  	_ =	sfence.sel $0xFFFF  }
0xce: {  	[dreg:$0x0] =	wrdreg $0xFFFFFFFF;
	(pc) =	sbr.abs _section_cstart, $3  }
0xcf: {  	[dreg:$0x1] =	wrdreg $0xFFFFFFFF  }
0xd0: {  	_ =	task.clear_ibuf [dreg:s22], $0x2FFFF;
	_ =	strace $0x9FFFFFFF  }
0xd1: {  	(tm) =	ssettm $0x7FFFFFFF  }
tec
execute0_lowered:
.L_overlay_start_1:
0x0: {  	(tag) =	ssettag $0x1  }
0x1: {  	s1 =	srdreg.scid;
	s0 =	stileid.u32  }
0x2: {  	s22 =	sand.u32 $0x1, s1;
	s31 =	sshll.u32 s0, $0x1  }
0x3: {  	s8 =	sor.u32 s22, s31  }
0x4: {  	s4 =	smul.u32 $0x1E0, s8  }
0x5: {  	s2 =	rddreg [dreg:$0x0]  }
0x6: {  	s10 =	rddreg [dreg:$0x1];
	s3 =	simm.s32 $0x0;
	s4 =	sshrl.u32 s4, $0x3  }
0x7: {  	s5 =	simm.s32 $0x5;
	[smem:$0x7FF] =	sst s3;
	s4 =	sadd.s32 s10, s4  }
0x8: {  	s1 =	rddreg [dreg:$0x2];
	_ =	strace $0x8000004A;
	s4 =	sadd.s32 $0x1900, s4  }
0x9: {  	[tilespmem:s3], [sflag:$0x5] =	stream.linear.gather [hbm4b:s4+s3], $0x1E0, $0x38;
	[tilespmem:$0x5200] =	vst v63  }
0xa: {  	_ =	swait.ge [sflag:s5], $0x1E0  }
0xb: {  	[sflag:s5] =	ssyncset.done $0x0  }
0xc: {  	s6 =	simm.s32 $0x50;
	s7 =	simm.s32 $0x200;
	[sflag:s5] =	ssyncadd.s32 $0xFFFFFE20  }
0xd: {  	[tilespmem:s7], [sflag:$0x1] =	stream.indirect.gather [hbm4b:s2+s6], $0x80, s3, s6, $0xb8;
	[tilespmem:$0x5200] =	vst v63  }
0xe: {  	s9 =	simm.s32 $0x1;
	s11 =	smul.u32 $0x1E00, s8;
	s8 =	simm.s32 $0x2A00  }
0xf: {  	[tilespmem:s8], [sflag:$0x2] =	stream.indirect.gather [hbm4b:s2+s6], $0x80, s6, s6, $0xb8;
	[tilespmem:$0x5200] =	vst v63  }
0x10: {  	_ =	swait.ge [sflag:s9], $0x2800  }
0x11: {  	s23 =	sadd.s32 s11, s10;
	[sflag:s9] =	ssyncset.done $0x0  }
0x12: {  	s11 =	simm.s32 $0x2;
	s10 =	sadd.s32 $0x2E00, s23;
	[sflag:s9] =	ssyncadd.s32 $0xFFFFD800  }
0x13: {  	[hbm4b:s10+s3] =	stream.linear.scatter [tilespmem:s7], [sflag:$0x3], $0x2800, $0x38;
	[tilespmem:$0x5200] =	vst v63  }
0x14: {  	_ =	swait.ge [sflag:s11], $0x2800  }
0x15: {  	[sflag:s11] =	ssyncset.done $0x0  }
0x16: {  	s12 =	simm.s32 $0x3;
	[sflag:s11] =	ssyncadd.s32 $0xFFFFD800  }
0x17: {  	_ =	swait.ge [sflag:s12], $0x2800  }
0x18: {  	[sflag:s12] =	ssyncset.done $0x0  }
0x19: {  	s13 =	simm.s32 $0xA0;
	[sflag:s12] =	ssyncadd.s32 $0xFFFFD800  }
0x1a: {  	[tilespmem:s7], [sflag:$0x1] =	stream.indirect.gather [hbm4b:s2+s6], $0x80, s13, s6, $0xb8;
	[tilespmem:$0x5200] =	vst v63  }
0x1b: {  	s14 =	simm.s32 $0x4;
	s15 =	sadd.s32 $0x3300, s23  }
0x1c: {  	[hbm4b:s15+s3] =	stream.linear.scatter [tilespmem:s8], [sflag:$0x4], $0x2800, $0x38;
	[tilespmem:$0x5200] =	vst v63  }
0x1d: {  	_ =	swait.ge [sflag:s14], $0x2800  }
0x1e: {  	[sflag:s14] =	ssyncset.done $0x0  }
0x1f: {  	s16 =	simm.s32 $0xF0;
	[sflag:s14] =	ssyncadd.s32 $0xFFFFD800  }
0x20: {  	[tilespmem:s8], [sflag:$0x2] =	stream.indirect.gather [hbm4b:s2+s6], $0x80, s16, s6, $0xb8;
	[tilespmem:$0x5200] =	vst v63  }
0x21: {  	_ =	swait.ge [sflag:s9], $0x2800  }
0x22: {  	[sflag:s9] =	ssyncset.done $0x0  }
0x23: {  	s17 =	sadd.s32 $0x3800, s23;
	[sflag:s9] =	ssyncadd.s32 $0xFFFFD800  }
0x24: {  	[hbm4b:s17+s3] =	stream.linear.scatter [tilespmem:s7], [sflag:$0x3], $0x2800, $0x38;
	[tilespmem:$0x5200] =	vst v63  }
0x25: {  	_ =	swait.ge [sflag:s11], $0x2800  }
0x26: {  	[sflag:s11] =	ssyncset.done $0x0  }
0x27: {  	[sflag:s11] =	ssyncadd.s32 $0xFFFFD800  }
0x28: {  	_ =	swait.ge [sflag:s12], $0x2800  }
0x29: {  	[sflag:s12] =	ssyncset.done $0x0  }
0x2a: {  	s18 =	simm.s32 $0x140;
	[sflag:s12] =	ssyncadd.s32 $0xFFFFD800  }
0x2b: {  	[tilespmem:s7], [sflag:$0x1] =	stream.indirect.gather [hbm4b:s2+s6], $0x80, s18, s6, $0xb8;
	[tilespmem:$0x5200] =	vst v63  }
0x2c: {  	s19 =	sadd.s32 $0x3D00, s23  }
0x2d: {  	[hbm4b:s19+s3] =	stream.linear.scatter [tilespmem:s8], [sflag:$0x4], $0x2800, $0x38;
	[tilespmem:$0x5200] =	vst v63  }
0x2e: {  	_ =	swait.ge [sflag:s14], $0x2800  }
0x2f: {  	[sflag:s14] =	ssyncset.done $0x0  }
0x30: {  	s20 =	simm.s32 $0x190;
	[sflag:s14] =	ssyncadd.s32 $0xFFFFD800  }
0x31: {  	[tilespmem:s8], [sflag:$0x2] =	stream.indirect.gather [hbm4b:s2+s6], $0x80, s20, s6, $0xb8;
	[tilespmem:$0x5200] =	vst v63  }
0x32: {  	_ =	swait.ge [sflag:s9], $0x2800  }
0x33: {  	[sflag:s9] =	ssyncset.done $0x0  }
0x34: {  	s22 =	ssub.s32 $0x2, s22;
	s21 =	sadd.s32 $0x4200, s23;
	[sflag:s9] =	ssyncadd.s32 $0xFFFFD800  }
0x35: {  	[hbm4b:s21+s3] =	stream.linear.scatter [tilespmem:s7], [sflag:$0x3], $0x2800, $0x38;
	[tilespmem:$0x5200] =	vst v63  }
0x36: {  	s24 =	sshrl.u32 s22, $0x1;
	_ =	swait.ge [sflag:s11], $0x2800  }
0x37: {  	s22 =	ssub.s32 s22, s24;
	[sflag:s11] =	ssyncset.done $0x0  }
0x38: {  	s24 =	smax.u32 s22, $0x1;
	[sflag:s11] =	ssyncadd.s32 $0xFFFFD800  }
0x39: {  	p0 =	sne.s32 s24, $0x1;
	_ =	swait.ge [sflag:s12], $0x2800  }
.Ltmp0:
0x3a: {  	[sflag:s12] =	ssyncset.done $0x0;
	(pc) =	sbr.rel @!p0 .LBB2_2-.Ltmp0, $4  }
0x3b: {  	s22 =	sadd.s32 $0x4700, s23;
	[sflag:s12] =	ssyncadd.s32 $0xFFFFD800  }
0x3c: {  	[hbm4b:s22+s3] =	stream.linear.scatter [tilespmem:s8], [sflag:$0x4], $0x2800, $0x38;
	[tilespmem:$0x5200] =	vst v63  }
0x3d: {  	_ =	swait.ge [sflag:s14], $0x2800  }
0x3e: {  	s23 =	sadd.s32 $0xFFFFFFFF, s24;
	[sflag:s14] =	ssyncset.done $0x0  }
.LBB2_1:
0x3f: {  	p0 =	sne.s32 s23, $0x1;
	s23 =	sadd.s32 $0xFFFFFFFF, s23;
	[sflag:s14] =	ssyncadd.s32 $0xFFFFD800  }
0x40: {  	[tilespmem:s3], [sflag:$0x5] =	stream.linear.gather [hbm4b:s4+s3], $0x1E0, $0x38;
	[tilespmem:$0x5200] =	vst v63  }
0x41: {  	_ =	swait.ge [sflag:s5], $0x1E0  }
0x42: {  	[sflag:s5] =	ssyncset.done $0x0  }
0x43: {  	[sflag:s5] =	ssyncadd.s32 $0xFFFFFE20  }
0x44: {  	[tilespmem:s7], [sflag:$0x1] =	stream.indirect.gather [hbm4b:s2+s6], $0x80, s3, s6, $0xb8;
	[tilespmem:$0x5200] =	vst v63  }
0x45: {  	_ = 	snop  }
0x46: {  	[tilespmem:s8], [sflag:$0x2] =	stream.indirect.gather [hbm4b:s2+s6], $0x80, s6, s6, $0xb8;
	[tilespmem:$0x5200] =	vst v63  }
0x47: {  	_ =	swait.ge [sflag:s9], $0x2800  }
0x48: {  	[sflag:s9] =	ssyncset.done $0x0  }
0x49: {  	[sflag:s9] =	ssyncadd.s32 $0xFFFFD800  }
0x4a: {  	[hbm4b:s10+s3] =	stream.linear.scatter [tilespmem:s7], [sflag:$0x3], $0x2800, $0x38;
	[tilespmem:$0x5200] =	vst v63  }
0x4b: {  	_ =	swait.ge [sflag:s11], $0x2800  }
0x4c: {  	[sflag:s11] =	ssyncset.done $0x0  }
0x4d: {  	[sflag:s11] =	ssyncadd.s32 $0xFFFFD800  }
0x4e: {  	_ =	swait.ge [sflag:s12], $0x2800  }
0x4f: {  	[sflag:s12] =	ssyncset.done $0x0  }
0x50: {  	[sflag:s12] =	ssyncadd.s32 $0xFFFFD800  }
0x51: {  	[tilespmem:s7], [sflag:$0x1] =	stream.indirect.gather [hbm4b:s2+s6], $0x80, s13, s6, $0xb8;
	[tilespmem:$0x5200] =	vst v63  }
0x52: {  	_ = 	snop  }
0x53: {  	[hbm4b:s15+s3] =	stream.linear.scatter [tilespmem:s8], [sflag:$0x4], $0x2800, $0x38;
	[tilespmem:$0x5200] =	vst v63  }
0x54: {  	_ =	swait.ge [sflag:s14], $0x2800  }
0x55: {  	[sflag:s14] =	ssyncset.done $0x0  }
0x56: {  	[sflag:s14] =	ssyncadd.s32 $0xFFFFD800  }
0x57: {  	[tilespmem:s8], [sflag:$0x2] =	stream.indirect.gather [hbm4b:s2+s6], $0x80, s16, s6, $0xb8;
	[tilespmem:$0x5200] =	vst v63  }
0x58: {  	_ =	swait.ge [sflag:s9], $0x2800  }
0x59: {  	[sflag:s9] =	ssyncset.done $0x0  }
0x5a: {  	[sflag:s9] =	ssyncadd.s32 $0xFFFFD800  }
0x5b: {  	[hbm4b:s17+s3] =	stream.linear.scatter [tilespmem:s7], [sflag:$0x3], $0x2800, $0x38;
	[tilespmem:$0x5200] =	vst v63  }
0x5c: {  	_ =	swait.ge [sflag:s11], $0x2800  }
0x5d: {  	[sflag:s11] =	ssyncset.done $0x0  }
0x5e: {  	[sflag:s11] =	ssyncadd.s32 $0xFFFFD800  }
0x5f: {  	_ =	swait.ge [sflag:s12], $0x2800  }
0x60: {  	[sflag:s12] =	ssyncset.done $0x0  }
0x61: {  	[sflag:s12] =	ssyncadd.s32 $0xFFFFD800  }
0x62: {  	[tilespmem:s7], [sflag:$0x1] =	stream.indirect.gather [hbm4b:s2+s6], $0x80, s18, s6, $0xb8;
	[tilespmem:$0x5200] =	vst v63  }
0x63: {  	_ = 	snop  }
0x64: {  	[hbm4b:s19+s3] =	stream.linear.scatter [tilespmem:s8], [sflag:$0x4], $0x2800, $0x38;
	[tilespmem:$0x5200] =	vst v63  }
0x65: {  	_ =	swait.ge [sflag:s14], $0x2800  }
0x66: {  	[sflag:s14] =	ssyncset.done $0x0  }
0x67: {  	[sflag:s14] =	ssyncadd.s32 $0xFFFFD800  }
0x68: {  	[tilespmem:s8], [sflag:$0x2] =	stream.indirect.gather [hbm4b:s2+s6], $0x80, s20, s6, $0xb8;
	[tilespmem:$0x5200] =	vst v63  }
0x69: {  	_ =	swait.ge [sflag:s9], $0x2800  }
0x6a: {  	[sflag:s9] =	ssyncset.done $0x0  }
0x6b: {  	[sflag:s9] =	ssyncadd.s32 $0xFFFFD800  }
0x6c: {  	[hbm4b:s21+s3] =	stream.linear.scatter [tilespmem:s7], [sflag:$0x3], $0x2800, $0x38;
	[tilespmem:$0x5200] =	vst v63  }
0x6d: {  	_ =	swait.ge [sflag:s11], $0x2800  }
0x6e: {  	[sflag:s11] =	ssyncset.done $0x0  }
0x6f: {  	[sflag:s11] =	ssyncadd.s32 $0xFFFFD800  }
0x70: {  	_ =	swait.ge [sflag:s12], $0x2800  }
.Ltmp1:
0x71: {  	[sflag:s12] =	ssyncset.done $0x0;
	(pc) =	sbr.rel @p0 .LBB2_1-.Ltmp1, $4  }
0x72: {  	[sflag:s12] =	ssyncadd.s32 $0xFFFFD800  }
0x73: {  	[hbm4b:s22+s3] =	stream.linear.scatter [tilespmem:s8], [sflag:$0x4], $0x2800, $0x38;
	[tilespmem:$0x5200] =	vst v63  }
0x74: {  	_ =	swait.ge [sflag:s14], $0x2800  }
0x75: {  	[sflag:s14] =	ssyncset.done $0x0  }
.LBB2_2:
0x76: {  	[sflag:s14] =	ssyncadd.s32 $0xFFFFD800  }
0x77: {  	_ =	sfence.sel $0x180000  }
0x78: {  	[bflag:$0x0] =	sbarrier.arrive $0xFFFF  }
0x79: {  	p0 =	sne.s32 s0, $0x0;
	_ =	strace $0x9000004A  }
0x7a: {  	s0 =	sadd.s32 @!p0 $0x100000, s1;
	[bflag:$0x2] =	sbarrier.arrive $0xFFFF  }
0x7b: {  	[sflag:s0] =	ssyncadd.tile.s32 @!p0 $0x1;
	_ =	shalt  }
.Lfunc_end2:
_tile_overlayer_lowered:
.L_overlay_start_2:
0x7c: {  	(tag) =	ssettag $0x2  }
0x7d: {  	s0 =	rddreg [dreg:$0x0];
	s2 =	stileid.u32  }
0x7e: {  	s1 =	rddreg [dreg:$0x1];
	p0 =	sne.s32 s2, $0x0  }
0x7f: {  	s3 =	rddreg [dreg:$0x2];
	[bflag:$0x3] =	sbarrier.arrive $0xFFFF;
	s2 =	simm.s32 @!p0 $0x1C05  }
0x80: {  	[timem:s3], [sflag:s2] =	dma.local @!p0 [hbm:s0], s1  }
0x81: {  	s0 =	simm.s32 @!p0 $0x5  }
0x82: {  	_ =	swait.ge @!p0 [sflag:s0], s1  }
0x83: {  	s1 =	ssub.s32 @!p0 $0x0, s1;
	[sflag:s0] =	ssyncset.done @!p0 $0x0  }
0x84: {  	[sflag:s0] =	ssyncadd.s32 @!p0 s1  }
0x85: {  	[bflag:$0x3] =	sbarrier.arrive $0xFFFF  }
0x86: {  	_ =	shalt  }

// kernel: kernel.14.cloned.1.call-start
scs
__scs_entry_jumppad:
0x0: {  	(pc) =	sbr.rel $0x88, $3  }
0x1: {  	(tag) =	ssettag $0x0;
	lr =	simm.s32 $0x1  }
0x2: {  	[smem:$0x3F9F] =	sst lr;
	_ =	strace $0xD0000000  }
0x3: {  	_ = 	snop  }
0x4: {  	_ = 	snop  }
0x5: {  	_ = 	snop  }
0x6: {  	_ = 	snop  }
0x7: {  	_ = 	snop  }
__scs_overlays_trampoline_lowered:
0x8: {  	[smem:$0x3FAE] =	sst s0  }
0x9: {  	[smem:$0x3FAF] =	sst s1  }
0xa: {  	[smem:$0x3FB0] =	sst s2  }
0xb: {  	[smem:$0x3FB1] =	sst s3  }
0xc: {  	[smem:$0x3FB2] =	sst s4  }
0xd: {  	[smem:$0x3FB3] =	sst s5  }
0xe: {  	[smem:$0x3FB4] =	sst s6  }
0xf: {  	[smem:$0x3FB5] =	sst s7  }
0x10: {  	[smem:$0x3FB6] =	sst s8  }
0x11: {  	[smem:$0x3FB7] =	sst s9;
	s0 =	simm.s32 @!p0 $0x0  }
0x12: {  	s1 =	sld [smem:$0x3F9D];
	s0 =	simm.s32 @p0 $0x1  }
0x13: {  	[smem:$0x3FB8] =	sst s0;
	s0 =	simm.s32 @!p1 $0x0  }
0x14: {  	s2 =	sld [smem:$0x3F9C];
	s0 =	simm.s32 @p1 $0x1  }
0x15: {  	[smem:$0x3FB9] =	sst s0;
	s0 =	simm.s32 @!p2 $0x0  }
0x16: {  	s3 =	sld [smem:$0x3FDB];
	s0 =	simm.s32 @p2 $0x1  }
0x17: {  	s4 =	simm.s32 $0x1BF5;
	[smem:$0x3FBB] =	sst s0  }
0x18: {  	s0 =	sld [smem:$0x3F9E];
	_ =	swait.ge [sflag:s4], $0x0  }
0x19: {  	s7 =	sld [smem:$0x3F9F]  }
0x1a: {  	s8 =	sadd.s32 $0xFFFFE003, lr  }
0x1b: {  	s9 =	sadd.s32 $0xFFFFFEF7, lr;
	s5 =	simm.s32 $0xFFFFFFFF;
	p2 =	slt.u32 s8, $0xFFFFF086  }
0x1c: {  	p1 =	slt.u32 s9, $0xF7A;
	s5 =	simm.s32 @!p2 $0x0  }
0x1d: {  	s5 =	simm.s32 @p1 $0x1;
	p0 =	seq.s32 s7, s2  }
0x1e: {  	s7 =	smul.u32 @!p0 $0xF7A, s2;
	p2 =	seq.s32 @!p0 s5, $0x0  }
0x1f: {  	s9 =	smul.u32 $0xF7A, s1;
	s8 =	simm.s32 @!p0 $0x1BF5;
	p2 =	por !p2, p0  }
0x20: {  	[sflag:s8] =	ssyncset.s32 @!p0 $0xFFFFF086;
	s6 =	sadd.s32 @!p0 s3, s7;
	s7 =	simm.s32 @!p0 $0x108  }
0x21: {  	s3 =	sadd.s32 s3, s9;
	s6 =	sadd.s32 @!p0 $0x88, s6;
	s7 =	simm.s32 @p2 $0x1082  }
0x22: {  	[simem:s7], [sflag:s8] =	dma.local @!p0 [hbm:s6], $0xF7A  }
0x23: {  	s9 =	sor.u32 $0xD0000000, s2;
	s6 =	simm.s32 $0x108;
	_ =	swait.ge @!p0 [sflag:s8], $0x0  }
0x24: {  	s3 =	sadd.s32 $0x88, s3;
	s6 =	simm.s32 @!p1 $0x1082;
	[sflag:s4] =	ssyncset.s32 $0xFFFFF086  }
0x25: {  	[simem:s6], [sflag:s4] =	dma.local [hbm:s3], $0xF7A  }
0x26: {  	[smem:$0x3F9F] =	sst s1;
	(tag) =	ssettag s2;
	_ =	strace s9  }
0x27: {  	s1 =	sld [smem:$0x3FAF]  }
0x28: {  	s2 =	sld [smem:$0x3FB0]  }
0x29: {  	s4 =	sld [smem:$0x3FB2]  }
0x2a: {  	p0 =	seq.s32 s5, $0x0;
	s5 =	sld [smem:$0x3FB3]  }
0x2b: {  	s6 =	sld [smem:$0x3FB4]  }
0x2c: {  	s7 =	sld [smem:$0x3FB5]  }
0x2d: {  	s3 =	simm.s32 $0x108;
	s8 =	sld [smem:$0x3FB6]  }
0x2e: {  	s3 =	simm.s32 @!p0 $0x1082;
	s9 =	sld [smem:$0x3FB7]  }
0x2f: {  	lr =	sadd.s32 s0, s3;
	s0 =	sld [smem:$0x3FAE]  }
0x30: {  	s3 =	sld [smem:$0x3FB1]  }
0x31: {  	[smem:$0x3FBA] =	sst s10  }
0x32: {  	s10 =	sld [smem:$0x3FB8];
	_ =	sdelay $0x3  }
0x33: {  	p0 =	seq.s32 s10, $0x1;
	s10 =	sld [smem:$0x3FBA];
	_ =	sdelay $0x3  }
0x34: {  	[smem:$0x3FBA] =	sst s10  }
0x35: {  	s10 =	sld [smem:$0x3FB9];
	_ =	sdelay $0x3  }
0x36: {  	p1 =	seq.s32 s10, $0x1;
	s10 =	sld [smem:$0x3FBA];
	_ =	sdelay $0x3  }
0x37: {  	[smem:$0x3FBA] =	sst s10  }
0x38: {  	s10 =	sld [smem:$0x3FBB]  }
0x39: {  	_ = 	snop;
	(pc) =	sbr.ind lr, $3  }
0x3a: {  	_ = 	snop  }
0x3b: {  	_ = 	snop  }
0x3c: {  	p2 =	seq.s32 s10, $0x1;
	s10 =	sld [smem:$0x3FBA]  }
0x3d: {  	_ =	shalt  }
0x3e: {  	_ =	shalt  }
0x3f: {  	_ =	shalt  }
0x40: {  	_ =	shalt  }
0x41: {  	_ =	shalt  }
0x42: {  	_ =	shalt  }
0x43: {  	_ =	shalt  }
0x44: {  	_ =	shalt  }
0x45: {  	_ =	shalt  }
0x46: {  	_ =	shalt  }
0x47: {  	_ =	shalt  }
0x48: {  	_ =	shalt  }
0x49: {  	_ =	shalt  }
0x4a: {  	_ =	shalt  }
0x4b: {  	_ =	shalt  }
0x4c: {  	_ =	shalt  }
0x4d: {  	_ =	shalt  }
0x4e: {  	_ =	shalt  }
0x4f: {  	_ =	shalt  }
0x50: {  	_ =	shalt  }
0x51: {  	_ =	shalt  }
0x52: {  	_ =	shalt  }
0x53: {  	_ =	shalt  }
0x54: {  	_ =	shalt  }
0x55: {  	_ =	shalt  }
0x56: {  	_ =	shalt  }
0x57: {  	_ =	shalt  }
0x58: {  	_ =	shalt  }
0x59: {  	_ =	shalt  }
0x5a: {  	_ =	shalt  }
0x5b: {  	_ =	shalt  }
0x5c: {  	_ =	shalt  }
0x5d: {  	_ =	shalt  }
0x5e: {  	_ =	shalt  }
0x5f: {  	_ =	shalt  }
0x60: {  	_ =	shalt  }
0x61: {  	_ =	shalt  }
0x62: {  	_ =	shalt  }
0x63: {  	_ =	shalt  }
0x64: {  	_ =	shalt  }
0x65: {  	_ =	shalt  }
0x66: {  	_ =	shalt  }
0x67: {  	_ =	shalt  }
0x68: {  	_ =	shalt  }
0x69: {  	_ =	shalt  }
0x6a: {  	_ =	shalt  }
0x6b: {  	_ =	shalt  }
0x6c: {  	_ =	shalt  }
0x6d: {  	_ =	shalt  }
0x6e: {  	_ =	shalt  }
0x6f: {  	_ =	shalt  }
0x70: {  	_ =	shalt  }
0x71: {  	_ =	shalt  }
0x72: {  	_ =	shalt  }
0x73: {  	_ =	shalt  }
0x74: {  	_ =	shalt  }
0x75: {  	_ =	shalt  }
0x76: {  	_ =	shalt  }
0x77: {  	_ =	shalt  }
0x78: {  	_ =	shalt  }
0x79: {  	_ =	shalt  }
0x7a: {  	_ =	shalt  }
0x7b: {  	_ =	shalt  }
0x7c: {  	_ =	shalt  }
0x7d: {  	_ =	shalt  }
0x7e: {  	_ =	shalt  }
0x7f: {  	_ =	shalt  }
0x80: {  	_ =	shalt  }
0x81: {  	_ =	shalt  }
0x82: {  	_ =	shalt  }
0x83: {  	_ =	shalt  }
0x84: {  	_ =	shalt  }
0x85: {  	_ =	shalt  }
0x86: {  	_ =	shalt  }
0x87: {  	_ =	shalt  }
.Lfunc_end0:
.L_simem_size_0:
called_computation.2_lowered:
.L_overlay_start_0:
0x88: {  	s2 =	sld [smem:$0x3FD9]  }
0x89: {  	s3 =	sld [smem:$0x3FFE];
	_ =	sdelay $0x1  }
0x8a: {  	s1 =	srdreg.scid  }
0x8b: {  	s0 =	sand.u32 $0x1, s1  }
0x8c: {  	s17 =	sshll.u32 s0, $0xA;
	s2 =	sadd.s32 s3, s2  }
0x8d: {  	s2 =	sadd.s32 s2, s17  }
0x8e: {  	[smem:$0x3FC6] =	sst s2  }
0x8f: {  	_ = 	snop  }
0x90: {  	s18 =	sld [smem:$0x3FC8];
	(tm) =	ssettm $0x1  }
0x91: {  	s19 =	sld [smem:$0x3FFB];
	_ =	sdelay $0x3  }
0x92: {  	_ =	strace s19  }
0x93: {  	s2 =	sld [smem:$0x3FFC];
	_ =	sdelay $0x3  }
0x94: {  	_ =	strace s2  }
0x95: {  	s2 =	sld [smem:$0x3FFD];
	_ =	sdelay $0x3  }
0x96: {  	_ =	strace s2  }
0x97: {  	_ =	strace $0x8FFFFFFF  }
0x98: {  	s20 =	sld [smem:$0x3FDB];
	_ =	sdelay $0x1  }
0x99: {  	s4 =	simm.s32 $_scs_section_size  }
0x9a: {  	s5 =	simm.s32 $_size__tile_overlayer_lowered;
	s6 =	simm.s32 $_tile_overlayer_lowered  }
0x9b: {  	s7 =	simm.s32 $0x1BFF;
	s21 =	sshll.u32 s6, $0x1;
	s4 =	sadd.s32 s4, s20  }
0x9c: {  	s22 =	simm.s32 $0x0;
	s5 =	sshll.u32 s5, $0x1;
	s6 =	sadd.s32 s21, s4  }
0x9d: {  	[timem:s22], [sflag:s7] =	dma.local [hbm:s6], s5  }
0x9e: {  	_ =	swait.ge [sflag:s7], s5  }
0x9f: {  	s5 =	ssub.s32 $0x0, s5;
	[sflag:s7] =	ssyncset.done $0x0  }
0xa0: {  	[sflag:s7] =	ssyncadd.s32 s5;
	_ =	sdelay $0x1  }
0xa1: {  	s23 =	simm.s32 $0x1B8B  }
0xa2: {  	_ =	swait.ge [sflag:s23], $0x1  }
0xa3: {  	[sflag:s23] =	ssyncset.done $0x0  }
0xa4: {  	[sflag:s23] =	ssyncadd.s32 $0xFFFFFFFF  }
0xa5: {  	s5 =	sld [smem:$0x0]  }
0xa6: {  	s6 =	sand.u32 $0xFFFFFFFE, s1  }
0xa7: {  	p0 =	sne.s32 s1, s6  }
0xa8: {  	s6 =	sshll.u32 @p0 s6, $0xE  }
0xa9: {  	s6 =	sadd.s32 @p0 $0x11B8D, s6;
	s7 =	sshll.u32 @p0 s5, $0x11  }
0xaa: {  	s6 =	sor.u32 @p0 s7, s6  }
0xab: {  	[sflag:s6] =	ssyncadd.remote.s32 @p0 $0x1;
	_ =	sdelay $0x1  }
0xac: {  	s6 =	simm.s32 @p0 $0x1B8D  }
0xad: {  	_ =	swait.eq @p0 [sflag:s6], $0x1  }
0xae: {  	[sflag:s6] =	ssyncadd.s32 @p0 $0xFFFFFFFF  }
0xaf: {  	s7 =	sshll.u32 @!p0 s1, $0xE  }
0xb0: {  	s7 =	sor.u32 @!p0 $0x4000, s7;
	s6 =	simm.s32 @!p0 $0x1B8D  }
0xb1: {  	s5 =	sshll.u32 @!p0 s5, $0x11;
	s7 =	sadd.s32 @!p0 $0x11B8D, s7;
	_ =	swait.eq @!p0 [sflag:s6], $0x1  }
0xb2: {  	s5 =	sor.u32 @!p0 s5, s7;
	[sflag:s6] =	ssyncadd.s32 @!p0 $0xFFFFFFFF  }
0xb3: {  	s25 =	simm.s32 $0x1B8E;
	s24 =	sld [smem:$0x3FFE];
	[sflag:s5] =	ssyncadd.remote.s32 @!p0 $0x1  }
0xb4: {  	s26 =	simm.s32 $execute0_lowered;
	[smem:$0x3FD2] =	sst s25  }
0xb5: {  	s6 =	sshll.u32 s26, $0x1;
	_ =	strace $0x8000004C;
	[dreg:$0x1] =	wrdreg $0xFFFFFFFF  }
0xb6: {  	s28 =	simm.s32 $_size_execute0_lowered;
	s4 =	sadd.s32 s4, s6;
	[dreg:$0x0] =	wrdreg $0x0  }
0xb7: {  	s6 =	sshll.u32 s28, $0x1;
	[dreg:$0x2] =	wrdreg s4  }
0xb8: {  	[dreg:$0x3] =	wrdreg s6  }
0xb9: {  	[dreg:$0x4] =	wrdreg $0xC0  }
0xba: {  	_ =	task [dreg:s22], $0x5FFFF  }
0xbb: {  	[dreg:$0x1] =	wrdreg $0xFFFFFFFF  }
0xbc: {  	[dreg:$0x0] =	wrdreg $0x60  }
0xbd: {  	[dreg:$0x2] =	wrdreg s18  }
0xbe: {  	[dreg:$0x3] =	wrdreg s24  }
0xbf: {  	[dreg:$0x4] =	wrdreg $0xB  }
0xc0: {  	_ =	task.clear_ibuf [dreg:s22], $0x5FFFF;
	_ =	strace $0x9000004C  }
0xc1: {  	s29 =	simm.s32 $0xB;
	_ =	strace $0x8000004E  }
0xc2: {  	_ =	swait.ge [sflag:s29], $0x1  }
0xc3: {  	[sflag:s29] =	ssyncadd.s32 $0xFFFFFFFF  }
0xc4: {  	_ =	strace $0x9000004E  }
0xc5: {  	_ =	sfence  }
0xc6: {  	s30 =	sld [smem:$0x0];
	_ =	sdelay $0x2  }
0xc7: {  	s31 =	sshll.u32 s1, $0xD;
	s1 =	sshrl.u32 s1, $0x2  }
0xc8: {  	s4 =	sand.u32 $0x4000, s31;
	s1 =	sadd.s32 s1, s30  }
0xc9: {  	s0 =	sor.u32 s4, s0;
	s1 =	sshll.u32 s1, $0x11  }
0xca: {  	s0 =	sor.u32 s1, s0  }
0xcb: {  	s0 =	sadd.s32 $0x8F2B, s0  }
0xcc: {  	[sflag:s0] =	ssyncadd.remote.s32 $0x1  }
0xcd: {  	_ =	sfence.sel $0xFFFF  }
0xce: {  	[dreg:$0x0] =	wrdreg $0xFFFFFFFF;
	(pc) =	sbr.abs _section_cstart, $3  }
0xcf: {  	[dreg:$0x1] =	wrdreg $0xFFFFFFFF  }
0xd0: {  	_ =	task.clear_ibuf [dreg:s22], $0x2FFFF;
	_ =	strace $0x9FFFFFFF  }
0xd1: {  	(tm) =	ssettm $0x7FFFFFFF  }
tec
execute0_lowered:
.L_overlay_start_1:
0x0: {  	(tag) =	ssettag $0x1  }
0x1: {  	s1 =	srdreg.scid;
	s0 =	stileid.u32  }
0x2: {  	s30 =	sand.u32 $0x1, s1;
	s26 =	sshll.u32 s0, $0x1  }
0x3: {  	s7 =	sor.u32 s30, s26  }
0x4: {  	s4 =	smul.u32 $0x320, s7;
	_ =	sdelay $0x1  }
0x5: {  	s9 =	rddreg [dreg:$0x1];
	s4 =	sshrl.u32 s4, $0x3  }
0x6: {  	s2 =	rddreg [dreg:$0x0];
	s3 =	simm.s32 $0x0;
	s4 =	sadd.s32 s9, s4  }
0x7: {  	[smem:$0x7FF] =	sst s3;
	s4 =	sadd.s32 $0x2080, s4  }
0x8: {  	_ =	strace $0x8000004D;
	[dreg:$0x3] =	wrdreg s4  }
0x9: {  	s4 =	simm.s32 $0x5;
	s5 =	rddreg [dreg:$0x3]  }
0xa: {  	[tilespmem:s3], [sflag:$0x5] =	stream.linear.gather [hbm4b:s5+s3], $0x320, $0x38;
	[tilespmem:$0x5380] =	vst v63  }
0xb: {  	_ =	swait.ge [sflag:s4], $0x320  }
0xc: {  	[sflag:s4] =	ssyncset.done $0x0  }
0xd: {  	s6 =	simm.s32 $0x380;
	s5 =	simm.s32 $0x50;
	[sflag:s4] =	ssyncadd.s32 $0xFFFFFCE0  }
0xe: {  	[tilespmem:s6], [sflag:$0x1] =	stream.indirect.gather [hbm4b:s2+s5], $0x80, s3, s5, $0xb8;
	[tilespmem:$0x5380] =	vst v63  }
0xf: {  	s8 =	simm.s32 $0x1;
	s10 =	smul.u32 $0x3200, s7;
	s7 =	simm.s32 $0x2B80  }
0x10: {  	[tilespmem:s7], [sflag:$0x2] =	stream.indirect.gather [hbm4b:s2+s5], $0x80, s5, s5, $0xb8;
	[tilespmem:$0x5380] =	vst v63  }
0x11: {  	_ =	swait.ge [sflag:s8], $0x2800  }
0x12: {  	s31 =	sadd.s32 s10, s9;
	[sflag:s8] =	ssyncset.done $0x0  }
0x13: {  	s10 =	simm.s32 $0x2;
	s9 =	sadd.s32 $0x3EE00, s31;
	[sflag:s8] =	ssyncadd.s32 $0xFFFFD800  }
0x14: {  	[hbm4b:s9+s3] =	stream.linear.scatter [tilespmem:s6], [sflag:$0x3], $0x2800, $0x38;
	[tilespmem:$0x5380] =	vst v63  }
0x15: {  	_ =	swait.ge [sflag:s10], $0x2800  }
0x16: {  	[sflag:s10] =	ssyncset.done $0x0  }
0x17: {  	s11 =	simm.s32 $0x3;
	[sflag:s10] =	ssyncadd.s32 $0xFFFFD800  }
0x18: {  	_ =	swait.ge [sflag:s11], $0x2800  }
0x19: {  	[sflag:s11] =	ssyncset.done $0x0  }
0x1a: {  	s12 =	simm.s32 $0xA0;
	[sflag:s11] =	ssyncadd.s32 $0xFFFFD800  }
0x1b: {  	[tilespmem:s6], [sflag:$0x1] =	stream.indirect.gather [hbm4b:s2+s5], $0x80, s12, s5, $0xb8;
	[tilespmem:$0x5380] =	vst v63  }
0x1c: {  	s13 =	simm.s32 $0x4;
	s14 =	sadd.s32 $0x3F300, s31  }
0x1d: {  	[hbm4b:s14+s3] =	stream.linear.scatter [tilespmem:s7], [sflag:$0x4], $0x2800, $0x38;
	[tilespmem:$0x5380] =	vst v63  }
0x1e: {  	_ =	swait.ge [sflag:s13], $0x2800  }
0x1f: {  	[sflag:s13] =	ssyncset.done $0x0  }
0x20: {  	s15 =	simm.s32 $0xF0;
	[sflag:s13] =	ssyncadd.s32 $0xFFFFD800  }
0x21: {  	[tilespmem:s7], [sflag:$0x2] =	stream.indirect.gather [hbm4b:s2+s5], $0x80, s15, s5, $0xb8;
	[tilespmem:$0x5380] =	vst v63  }
0x22: {  	_ =	swait.ge [sflag:s8], $0x2800  }
0x23: {  	[sflag:s8] =	ssyncset.done $0x0  }
0x24: {  	s16 =	sadd.s32 $0x3F800, s31;
	[sflag:s8] =	ssyncadd.s32 $0xFFFFD800  }
0x25: {  	[hbm4b:s16+s3] =	stream.linear.scatter [tilespmem:s6], [sflag:$0x3], $0x2800, $0x38;
	[tilespmem:$0x5380] =	vst v63  }
0x26: {  	_ =	swait.ge [sflag:s10], $0x2800  }
0x27: {  	[sflag:s10] =	ssyncset.done $0x0  }
0x28: {  	[sflag:s10] =	ssyncadd.s32 $0xFFFFD800  }
0x29: {  	_ =	swait.ge [sflag:s11], $0x2800  }
0x2a: {  	[sflag:s11] =	ssyncset.done $0x0  }
0x2b: {  	s17 =	simm.s32 $0x140;
	[sflag:s11] =	ssyncadd.s32 $0xFFFFD800  }
0x2c: {  	[tilespmem:s6], [sflag:$0x1] =	stream.indirect.gather [hbm4b:s2+s5], $0x80, s17, s5, $0xb8;
	[tilespmem:$0x5380] =	vst v63  }
0x2d: {  	s18 =	sadd.s32 $0x3FD00, s31  }
0x2e: {  	[hbm4b:s18+s3] =	stream.linear.scatter [tilespmem:s7], [sflag:$0x4], $0x2800, $0x38;
	[tilespmem:$0x5380] =	vst v63  }
0x2f: {  	_ =	swait.ge [sflag:s13], $0x2800  }
0x30: {  	[sflag:s13] =	ssyncset.done $0x0  }
0x31: {  	s19 =	simm.s32 $0x190;
	[sflag:s13] =	ssyncadd.s32 $0xFFFFD800  }
0x32: {  	[tilespmem:s7], [sflag:$0x2] =	stream.indirect.gather [hbm4b:s2+s5], $0x80, s19, s5, $0xb8;
	[tilespmem:$0x5380] =	vst v63  }
0x33: {  	_ =	swait.ge [sflag:s8], $0x2800  }
0x34: {  	[sflag:s8] =	ssyncset.done $0x0  }
0x35: {  	s20 =	sadd.s32 $0x40200, s31;
	[sflag:s8] =	ssyncadd.s32 $0xFFFFD800  }
0x36: {  	[hbm4b:s20+s3] =	stream.linear.scatter [tilespmem:s6], [sflag:$0x3], $0x2800, $0x38;
	[tilespmem:$0x5380] =	vst v63  }
0x37: {  	_ =	swait.ge [sflag:s10], $0x2800  }
0x38: {  	[sflag:s10] =	ssyncset.done $0x0  }
0x39: {  	[sflag:s10] =	ssyncadd.s32 $0xFFFFD800  }
0x3a: {  	_ =	swait.ge [sflag:s11], $0x2800  }
0x3b: {  	[sflag:s11] =	ssyncset.done $0x0  }
0x3c: {  	s21 =	simm.s32 $0x1E0;
	[sflag:s11] =	ssyncadd.s32 $0xFFFFD800  }
0x3d: {  	[tilespmem:s6], [sflag:$0x1] =	stream.indirect.gather [hbm4b:s2+s5], $0x80, s21, s5, $0xb8;
	[tilespmem:$0x5380] =	vst v63  }
0x3e: {  	s22 =	sadd.s32 $0x40700, s31  }
0x3f: {  	[hbm4b:s22+s3] =	stream.linear.scatter [tilespmem:s7], [sflag:$0x4], $0x2800, $0x38;
	[tilespmem:$0x5380] =	vst v63  }
0x40: {  	_ =	swait.ge [sflag:s13], $0x2800  }
0x41: {  	[sflag:s13] =	ssyncset.done $0x0  }
0x42: {  	s23 =	simm.s32 $0x230;
	[sflag:s13] =	ssyncadd.s32 $0xFFFFD800  }
0x43: {  	[tilespmem:s7], [sflag:$0x2] =	stream.indirect.gather [hbm4b:s2+s5], $0x80, s23, s5, $0xb8;
	[tilespmem:$0x5380] =	vst v63  }
0x44: {  	_ =	swait.ge [sflag:s8], $0x2800  }
0x45: {  	[sflag:s8] =	ssyncset.done $0x0  }
0x46: {  	s24 =	sadd.s32 $0x40C00, s31;
	[sflag:s8] =	ssyncadd.s32 $0xFFFFD800  }
0x47: {  	[hbm4b:s24+s3] =	stream.linear.scatter [tilespmem:s6], [sflag:$0x3], $0x2800, $0x38;
	[tilespmem:$0x5380] =	vst v63  }
0x48: {  	_ =	swait.ge [sflag:s10], $0x2800  }
0x49: {  	[sflag:s10] =	ssyncset.done $0x0  }
0x4a: {  	[sflag:s10] =	ssyncadd.s32 $0xFFFFD800  }
0x4b: {  	_ =	swait.ge [sflag:s11], $0x2800  }
0x4c: {  	[sflag:s11] =	ssyncset.done $0x0  }
0x4d: {  	s25 =	simm.s32 $0x280;
	[sflag:s11] =	ssyncadd.s32 $0xFFFFD800  }
0x4e: {  	[tilespmem:s6], [sflag:$0x1] =	stream.indirect.gather [hbm4b:s2+s5], $0x80, s25, s5, $0xb8;
	[tilespmem:$0x5380] =	vst v63  }
0x4f: {  	s26 =	sadd.s32 $0x41100, s31  }
0x50: {  	[hbm4b:s26+s3] =	stream.linear.scatter [tilespmem:s7], [sflag:$0x4], $0x2800, $0x38;
	[tilespmem:$0x5380] =	vst v63  }
0x51: {  	_ =	swait.ge [sflag:s13], $0x2800  }
0x52: {  	[sflag:s13] =	ssyncset.done $0x0  }
0x53: {  	s28 =	simm.s32 $0x2D0;
	[sflag:s13] =	ssyncadd.s32 $0xFFFFD800  }
0x54: {  	[tilespmem:s7], [sflag:$0x2] =	stream.indirect.gather [hbm4b:s2+s5], $0x80, s28, s5, $0xb8;
	[tilespmem:$0x5380] =	vst v63  }
0x55: {  	_ =	swait.ge [sflag:s8], $0x2800  }
0x56: {  	s30 =	ssub.s32 $0x2, s30;
	[sflag:s8] =	ssyncset.done $0x0  }
0x57: {  	s1 =	sshrl.u32 s30, $0x1;
	s29 =	sadd.s32 $0x41600, s31;
	[sflag:s8] =	ssyncadd.s32 $0xFFFFD800  }
0x58: {  	[hbm4b:s29+s3] =	stream.linear.scatter [tilespmem:s6], [sflag:$0x3], $0x2800, $0x38;
	[tilespmem:$0x5380] =	vst v63  }
0x59: {  	s1 =	ssub.s32 s30, s1;
	_ =	swait.ge [sflag:s10], $0x2800  }
0x5a: {  	s1 =	smax.u32 s1, $0x1;
	[sflag:s10] =	ssyncset.done $0x0  }
0x5b: {  	p0 =	sne.s32 s1, $0x1;
	[sflag:s10] =	ssyncadd.s32 $0xFFFFD800  }
.Ltmp0:
0x5c: {  	_ =	swait.ge [sflag:s11], $0x2800;
	(pc) =	sbr.rel @!p0 .LBB2_2-.Ltmp0, $4  }
0x5d: {  	[sflag:s11] =	ssyncset.done $0x0  }
0x5e: {  	s30 =	sadd.s32 $0x41B00, s31;
	[sflag:s11] =	ssyncadd.s32 $0xFFFFD800  }
0x5f: {  	[hbm4b:s30+s3] =	stream.linear.scatter [tilespmem:s7], [sflag:$0x4], $0x2800, $0x38;
	[tilespmem:$0x5380] =	vst v63  }
0x60: {  	s31 =	sadd.s32 $0xFFFFFFFF, s1;
	_ =	swait.ge [sflag:s13], $0x2800  }
.LBB2_1:
0x61: {  	[sflag:s13] =	ssyncset.done $0x0  }
0x62: {  	s1 =	rddreg [dreg:$0x3];
	[sflag:s13] =	ssyncadd.s32 $0xFFFFD800  }
0x63: {  	[tilespmem:s3], [sflag:$0x5] =	stream.linear.gather [hbm4b:s1+s3], $0x320, $0x38;
	[tilespmem:$0x5380] =	vst v63  }
0x64: {  	_ =	swait.ge [sflag:s4], $0x320  }
0x65: {  	[sflag:s4] =	ssyncset.done $0x0  }
0x66: {  	[sflag:s4] =	ssyncadd.s32 $0xFFFFFCE0  }
0x67: {  	[tilespmem:s6], [sflag:$0x1] =	stream.indirect.gather [hbm4b:s2+s5], $0x80, s3, s5, $0xb8;
	[tilespmem:$0x5380] =	vst v63  }
0x68: {  	_ = 	snop  }
0x69: {  	[tilespmem:s7], [sflag:$0x2] =	stream.indirect.gather [hbm4b:s2+s5], $0x80, s5, s5, $0xb8;
	[tilespmem:$0x5380] =	vst v63  }
0x6a: {  	_ =	swait.ge [sflag:s8], $0x2800  }
0x6b: {  	[sflag:s8] =	ssyncset.done $0x0  }
0x6c: {  	[sflag:s8] =	ssyncadd.s32 $0xFFFFD800  }
0x6d: {  	[hbm4b:s9+s3] =	stream.linear.scatter [tilespmem:s6], [sflag:$0x3], $0x2800, $0x38;
	[tilespmem:$0x5380] =	vst v63  }
0x6e: {  	_ =	swait.ge [sflag:s10], $0x2800  }
0x6f: {  	[sflag:s10] =	ssyncset.done $0x0  }
0x70: {  	[sflag:s10] =	ssyncadd.s32 $0xFFFFD800  }
0x71: {  	_ =	swait.ge [sflag:s11], $0x2800  }
0x72: {  	[sflag:s11] =	ssyncset.done $0x0  }
0x73: {  	[sflag:s11] =	ssyncadd.s32 $0xFFFFD800  }
0x74: {  	[tilespmem:s6], [sflag:$0x1] =	stream.indirect.gather [hbm4b:s2+s5], $0x80, s12, s5, $0xb8;
	[tilespmem:$0x5380] =	vst v63  }
0x75: {  	_ = 	snop  }
0x76: {  	[hbm4b:s14+s3] =	stream.linear.scatter [tilespmem:s7], [sflag:$0x4], $0x2800, $0x38;
	[tilespmem:$0x5380] =	vst v63  }
0x77: {  	_ =	swait.ge [sflag:s13], $0x2800  }
0x78: {  	[sflag:s13] =	ssyncset.done $0x0  }
0x79: {  	[sflag:s13] =	ssyncadd.s32 $0xFFFFD800  }
0x7a: {  	[tilespmem:s7], [sflag:$0x2] =	stream.indirect.gather [hbm4b:s2+s5], $0x80, s15, s5, $0xb8;
	[tilespmem:$0x5380] =	vst v63  }
0x7b: {  	_ =	swait.ge [sflag:s8], $0x2800  }
0x7c: {  	[sflag:s8] =	ssyncset.done $0x0  }
0x7d: {  	[sflag:s8] =	ssyncadd.s32 $0xFFFFD800  }
0x7e: {  	[hbm4b:s16+s3] =	stream.linear.scatter [tilespmem:s6], [sflag:$0x3], $0x2800, $0x38;
	[tilespmem:$0x5380] =	vst v63  }
0x7f: {  	_ =	swait.ge [sflag:s10], $0x2800  }
0x80: {  	[sflag:s10] =	ssyncset.done $0x0  }
0x81: {  	[sflag:s10] =	ssyncadd.s32 $0xFFFFD800  }
0x82: {  	_ =	swait.ge [sflag:s11], $0x2800  }
0x83: {  	[sflag:s11] =	ssyncset.done $0x0  }
0x84: {  	[sflag:s11] =	ssyncadd.s32 $0xFFFFD800  }
0x85: {  	[tilespmem:s6], [sflag:$0x1] =	stream.indirect.gather [hbm4b:s2+s5], $0x80, s17, s5, $0xb8;
	[tilespmem:$0x5380] =	vst v63  }
0x86: {  	_ = 	snop  }
0x87: {  	[hbm4b:s18+s3] =	stream.linear.scatter [tilespmem:s7], [sflag:$0x4], $0x2800, $0x38;
	[tilespmem:$0x5380] =	vst v63  }
0x88: {  	_ =	swait.ge [sflag:s13], $0x2800  }
0x89: {  	[sflag:s13] =	ssyncset.done $0x0  }
0x8a: {  	[sflag:s13] =	ssyncadd.s32 $0xFFFFD800  }
0x8b: {  	[tilespmem:s7], [sflag:$0x2] =	stream.indirect.gather [hbm4b:s2+s5], $0x80, s19, s5, $0xb8;
	[tilespmem:$0x5380] =	vst v63  }
0x8c: {  	_ =	swait.ge [sflag:s8], $0x2800  }
0x8d: {  	[sflag:s8] =	ssyncset.done $0x0  }
0x8e: {  	[sflag:s8] =	ssyncadd.s32 $0xFFFFD800  }
0x8f: {  	[hbm4b:s20+s3] =	stream.linear.scatter [tilespmem:s6], [sflag:$0x3], $0x2800, $0x38;
	[tilespmem:$0x5380] =	vst v63  }
0x90: {  	_ =	swait.ge [sflag:s10], $0x2800  }
0x91: {  	[sflag:s10] =	ssyncset.done $0x0  }
0x92: {  	[sflag:s10] =	ssyncadd.s32 $0xFFFFD800  }
0x93: {  	_ =	swait.ge [sflag:s11], $0x2800  }
0x94: {  	[sflag:s11] =	ssyncset.done $0x0  }
0x95: {  	[sflag:s11] =	ssyncadd.s32 $0xFFFFD800  }
0x96: {  	[tilespmem:s6], [sflag:$0x1] =	stream.indirect.gather [hbm4b:s2+s5], $0x80, s21, s5, $0xb8;
	[tilespmem:$0x5380] =	vst v63  }
0x97: {  	_ = 	snop  }
0x98: {  	[hbm4b:s22+s3] =	stream.linear.scatter [tilespmem:s7], [sflag:$0x4], $0x2800, $0x38;
	[tilespmem:$0x5380] =	vst v63  }
0x99: {  	_ =	swait.ge [sflag:s13], $0x2800  }
0x9a: {  	[sflag:s13] =	ssyncset.done $0x0  }
0x9b: {  	[sflag:s13] =	ssyncadd.s32 $0xFFFFD800  }
0x9c: {  	[tilespmem:s7], [sflag:$0x2] =	stream.indirect.gather [hbm4b:s2+s5], $0x80, s23, s5, $0xb8;
	[tilespmem:$0x5380] =	vst v63  }
0x9d: {  	_ =	swait.ge [sflag:s8], $0x2800  }
0x9e: {  	[sflag:s8] =	ssyncset.done $0x0  }
0x9f: {  	[sflag:s8] =	ssyncadd.s32 $0xFFFFD800  }
0xa0: {  	[hbm4b:s24+s3] =	stream.linear.scatter [tilespmem:s6], [sflag:$0x3], $0x2800, $0x38;
	[tilespmem:$0x5380] =	vst v63  }
0xa1: {  	_ =	swait.ge [sflag:s10], $0x2800  }
0xa2: {  	[sflag:s10] =	ssyncset.done $0x0  }
0xa3: {  	[sflag:s10] =	ssyncadd.s32 $0xFFFFD800  }
0xa4: {  	_ =	swait.ge [sflag:s11], $0x2800  }
0xa5: {  	[sflag:s11] =	ssyncset.done $0x0  }
0xa6: {  	[sflag:s11] =	ssyncadd.s32 $0xFFFFD800  }
0xa7: {  	[tilespmem:s6], [sflag:$0x1] =	stream.indirect.gather [hbm4b:s2+s5], $0x80, s25, s5, $0xb8;
	[tilespmem:$0x5380] =	vst v63  }
0xa8: {  	_ = 	snop  }
0xa9: {  	[hbm4b:s26+s3] =	stream.linear.scatter [tilespmem:s7], [sflag:$0x4], $0x2800, $0x38;
	[tilespmem:$0x5380] =	vst v63  }
0xaa: {  	_ =	swait.ge [sflag:s13], $0x2800  }
0xab: {  	[sflag:s13] =	ssyncset.done $0x0  }
0xac: {  	[sflag:s13] =	ssyncadd.s32 $0xFFFFD800  }
0xad: {  	[tilespmem:s7], [sflag:$0x2] =	stream.indirect.gather [hbm4b:s2+s5], $0x80, s28, s5, $0xb8;
	[tilespmem:$0x5380] =	vst v63  }
0xae: {  	_ =	swait.ge [sflag:s8], $0x2800  }
0xaf: {  	[sflag:s8] =	ssyncset.done $0x0  }
0xb0: {  	[sflag:s8] =	ssyncadd.s32 $0xFFFFD800  }
0xb1: {  	[hbm4b:s29+s3] =	stream.linear.scatter [tilespmem:s6], [sflag:$0x3], $0x2800, $0x38;
	[tilespmem:$0x5380] =	vst v63  }
0xb2: {  	_ =	swait.ge [sflag:s10], $0x2800  }
0xb3: {  	[sflag:s10] =	ssyncset.done $0x0  }
0xb4: {  	p0 =	sne.s32 s31, $0x1;
	[sflag:s10] =	ssyncadd.s32 $0xFFFFD800  }
.Ltmp1:
0xb5: {  	_ =	swait.ge [sflag:s11], $0x2800;
	(pc) =	sbr.rel @p0 .LBB2_1-.Ltmp1, $4  }
0xb6: {  	[sflag:s11] =	ssyncset.done $0x0  }
0xb7: {  	[sflag:s11] =	ssyncadd.s32 $0xFFFFD800  }
0xb8: {  	[hbm4b:s30+s3] =	stream.linear.scatter [tilespmem:s7], [sflag:$0x4], $0x2800, $0x38;
	[tilespmem:$0x5380] =	vst v63  }
0xb9: {  	s31 =	sadd.s32 $0xFFFFFFFF, s31;
	_ =	swait.ge [sflag:s13], $0x2800  }
.LBB2_2:
0xba: {  	[sflag:s13] =	ssyncset.done $0x0  }
0xbb: {  	[sflag:s13] =	ssyncadd.s32 $0xFFFFD800  }
0xbc: {  	_ =	sfence.sel $0x180000  }
0xbd: {  	[bflag:$0x0] =	sbarrier.arrive $0xFFFF  }
0xbe: {  	_ =	strace $0x9000004D  }
0xbf: {  	[bflag:$0x2] =	sbarrier.arrive $0xFFFF  }
0xc0: {  	p0 =	sne.s32 s0, $0x0;
	s0 =	rddreg [dreg:$0x2]  }
0xc1: {  	s0 =	sadd.s32 @!p0 $0x100000, s0  }
0xc2: {  	[sflag:s0] =	ssyncadd.tile.s32 @!p0 $0x1;
	_ =	shalt  }
.Lfunc_end2:
_tile_overlayer_lowered:
.L_overlay_start_2:
0xc3: {  	(tag) =	ssettag $0x2  }
0xc4: {  	s0 =	rddreg [dreg:$0x0];
	s2 =	stileid.u32  }
0xc5: {  	s1 =	rddreg [dreg:$0x1];
	p0 =	sne.s32 s2, $0x0  }
0xc6: {  	s3 =	rddreg [dreg:$0x2];
	[bflag:$0x3] =	sbarrier.arrive $0xFFFF;
	s2 =	simm.s32 @!p0 $0x1C05  }
0xc7: {  	[timem:s3], [sflag:s2] =	dma.local @!p0 [hbm:s0], s1  }
0xc8: {  	s0 =	simm.s32 @!p0 $0x5  }
0xc9: {  	_ =	swait.ge @!p0 [sflag:s0], s1  }
0xca: {  	s1 =	ssub.s32 @!p0 $0x0, s1;
	[sflag:s0] =	ssyncset.done @!p0 $0x0  }
0xcb: {  	[sflag:s0] =	ssyncadd.s32 @!p0 s1  }
0xcc: {  	[bflag:$0x3] =	sbarrier.arrive $0xFFFF  }
0xcd: {  	_ =	shalt  }

// kernel: kernel.8.cloned.1.call-start
scs
__scs_entry_jumppad:
0x0: {  	(pc) =	sbr.rel $0x88, $3  }
0x1: {  	(tag) =	ssettag $0x0;
	lr =	simm.s32 $0x1  }
0x2: {  	[smem:$0x3F9F] =	sst lr;
	_ =	strace $0xD0000000  }
0x3: {  	_ = 	snop  }
0x4: {  	_ = 	snop  }
0x5: {  	_ = 	snop  }
0x6: {  	_ = 	snop  }
0x7: {  	_ = 	snop  }
__scs_overlays_trampoline_lowered:
0x8: {  	[smem:$0x3FAE] =	sst s0  }
0x9: {  	[smem:$0x3FAF] =	sst s1  }
0xa: {  	[smem:$0x3FB0] =	sst s2  }
0xb: {  	[smem:$0x3FB1] =	sst s3  }
0xc: {  	[smem:$0x3FB2] =	sst s4  }
0xd: {  	[smem:$0x3FB3] =	sst s5  }
0xe: {  	[smem:$0x3FB4] =	sst s6  }
0xf: {  	[smem:$0x3FB5] =	sst s7  }
0x10: {  	[smem:$0x3FB6] =	sst s8  }
0x11: {  	[smem:$0x3FB7] =	sst s9;
	s0 =	simm.s32 @!p0 $0x0  }
0x12: {  	s1 =	sld [smem:$0x3F9D];
	s0 =	simm.s32 @p0 $0x1  }
0x13: {  	[smem:$0x3FB8] =	sst s0;
	s0 =	simm.s32 @!p1 $0x0  }
0x14: {  	s2 =	sld [smem:$0x3F9C];
	s0 =	simm.s32 @p1 $0x1  }
0x15: {  	[smem:$0x3FB9] =	sst s0;
	s0 =	simm.s32 @!p2 $0x0  }
0x16: {  	s3 =	sld [smem:$0x3FDB];
	s0 =	simm.s32 @p2 $0x1  }
0x17: {  	s4 =	simm.s32 $0x1BF5;
	[smem:$0x3FBB] =	sst s0  }
0x18: {  	s0 =	sld [smem:$0x3F9E];
	_ =	swait.ge [sflag:s4], $0x0  }
0x19: {  	s7 =	sld [smem:$0x3F9F]  }
0x1a: {  	s8 =	sadd.s32 $0xFFFFE003, lr  }
0x1b: {  	s9 =	sadd.s32 $0xFFFFFEF7, lr;
	s5 =	simm.s32 $0xFFFFFFFF;
	p2 =	slt.u32 s8, $0xFFFFF086  }
0x1c: {  	p1 =	slt.u32 s9, $0xF7A;
	s5 =	simm.s32 @!p2 $0x0  }
0x1d: {  	s5 =	simm.s32 @p1 $0x1;
	p0 =	seq.s32 s7, s2  }
0x1e: {  	s7 =	smul.u32 @!p0 $0xF7A, s2;
	p2 =	seq.s32 @!p0 s5, $0x0  }
0x1f: {  	s9 =	smul.u32 $0xF7A, s1;
	s8 =	simm.s32 @!p0 $0x1BF5;
	p2 =	por !p2, p0  }
0x20: {  	[sflag:s8] =	ssyncset.s32 @!p0 $0xFFFFF086;
	s6 =	sadd.s32 @!p0 s3, s7;
	s7 =	simm.s32 @!p0 $0x108  }
0x21: {  	s3 =	sadd.s32 s3, s9;
	s6 =	sadd.s32 @!p0 $0x88, s6;
	s7 =	simm.s32 @p2 $0x1082  }
0x22: {  	[simem:s7], [sflag:s8] =	dma.local @!p0 [hbm:s6], $0xF7A  }
0x23: {  	s9 =	sor.u32 $0xD0000000, s2;
	s6 =	simm.s32 $0x108;
	_ =	swait.ge @!p0 [sflag:s8], $0x0  }
0x24: {  	s3 =	sadd.s32 $0x88, s3;
	s6 =	simm.s32 @!p1 $0x1082;
	[sflag:s4] =	ssyncset.s32 $0xFFFFF086  }
0x25: {  	[simem:s6], [sflag:s4] =	dma.local [hbm:s3], $0xF7A  }
0x26: {  	[smem:$0x3F9F] =	sst s1;
	(tag) =	ssettag s2;
	_ =	strace s9  }
0x27: {  	s1 =	sld [smem:$0x3FAF]  }
0x28: {  	s2 =	sld [smem:$0x3FB0]  }
0x29: {  	s4 =	sld [smem:$0x3FB2]  }
0x2a: {  	p0 =	seq.s32 s5, $0x0;
	s5 =	sld [smem:$0x3FB3]  }
0x2b: {  	s6 =	sld [smem:$0x3FB4]  }
0x2c: {  	s7 =	sld [smem:$0x3FB5]  }
0x2d: {  	s3 =	simm.s32 $0x108;
	s8 =	sld [smem:$0x3FB6]  }
0x2e: {  	s3 =	simm.s32 @!p0 $0x1082;
	s9 =	sld [smem:$0x3FB7]  }
0x2f: {  	lr =	sadd.s32 s0, s3;
	s0 =	sld [smem:$0x3FAE]  }
0x30: {  	s3 =	sld [smem:$0x3FB1]  }
0x31: {  	[smem:$0x3FBA] =	sst s10  }
0x32: {  	s10 =	sld [smem:$0x3FB8];
	_ =	sdelay $0x3  }
0x33: {  	p0 =	seq.s32 s10, $0x1;
	s10 =	sld [smem:$0x3FBA];
	_ =	sdelay $0x3  }
0x34: {  	[smem:$0x3FBA] =	sst s10  }
0x35: {  	s10 =	sld [smem:$0x3FB9];
	_ =	sdelay $0x3  }
0x36: {  	p1 =	seq.s32 s10, $0x1;
	s10 =	sld [smem:$0x3FBA];
	_ =	sdelay $0x3  }
0x37: {  	[smem:$0x3FBA] =	sst s10  }
0x38: {  	s10 =	sld [smem:$0x3FBB]  }
0x39: {  	_ = 	snop;
	(pc) =	sbr.ind lr, $3  }
0x3a: {  	_ = 	snop  }
0x3b: {  	_ = 	snop  }
0x3c: {  	p2 =	seq.s32 s10, $0x1;
	s10 =	sld [smem:$0x3FBA]  }
0x3d: {  	_ =	shalt  }
0x3e: {  	_ =	shalt  }
0x3f: {  	_ =	shalt  }
0x40: {  	_ =	shalt  }
0x41: {  	_ =	shalt  }
0x42: {  	_ =	shalt  }
0x43: {  	_ =	shalt  }
0x44: {  	_ =	shalt  }
0x45: {  	_ =	shalt  }
0x46: {  	_ =	shalt  }
0x47: {  	_ =	shalt  }
0x48: {  	_ =	shalt  }
0x49: {  	_ =	shalt  }
0x4a: {  	_ =	shalt  }
0x4b: {  	_ =	shalt  }
0x4c: {  	_ =	shalt  }
0x4d: {  	_ =	shalt  }
0x4e: {  	_ =	shalt  }
0x4f: {  	_ =	shalt  }
0x50: {  	_ =	shalt  }
0x51: {  	_ =	shalt  }
0x52: {  	_ =	shalt  }
0x53: {  	_ =	shalt  }
0x54: {  	_ =	shalt  }
0x55: {  	_ =	shalt  }
0x56: {  	_ =	shalt  }
0x57: {  	_ =	shalt  }
0x58: {  	_ =	shalt  }
0x59: {  	_ =	shalt  }
0x5a: {  	_ =	shalt  }
0x5b: {  	_ =	shalt  }
0x5c: {  	_ =	shalt  }
0x5d: {  	_ =	shalt  }
0x5e: {  	_ =	shalt  }
0x5f: {  	_ =	shalt  }
0x60: {  	_ =	shalt  }
0x61: {  	_ =	shalt  }
0x62: {  	_ =	shalt  }
0x63: {  	_ =	shalt  }
0x64: {  	_ =	shalt  }
0x65: {  	_ =	shalt  }
0x66: {  	_ =	shalt  }
0x67: {  	_ =	shalt  }
0x68: {  	_ =	shalt  }
0x69: {  	_ =	shalt  }
0x6a: {  	_ =	shalt  }
0x6b: {  	_ =	shalt  }
0x6c: {  	_ =	shalt  }
0x6d: {  	_ =	shalt  }
0x6e: {  	_ =	shalt  }
0x6f: {  	_ =	shalt  }
0x70: {  	_ =	shalt  }
0x71: {  	_ =	shalt  }
0x72: {  	_ =	shalt  }
0x73: {  	_ =	shalt  }
0x74: {  	_ =	shalt  }
0x75: {  	_ =	shalt  }
0x76: {  	_ =	shalt  }
0x77: {  	_ =	shalt  }
0x78: {  	_ =	shalt  }
0x79: {  	_ =	shalt  }
0x7a: {  	_ =	shalt  }
0x7b: {  	_ =	shalt  }
0x7c: {  	_ =	shalt  }
0x7d: {  	_ =	shalt  }
0x7e: {  	_ =	shalt  }
0x7f: {  	_ =	shalt  }
0x80: {  	_ =	shalt  }
0x81: {  	_ =	shalt  }
0x82: {  	_ =	shalt  }
0x83: {  	_ =	shalt  }
0x84: {  	_ =	shalt  }
0x85: {  	_ =	shalt  }
0x86: {  	_ =	shalt  }
0x87: {  	_ =	shalt  }
.Lfunc_end0:
.L_simem_size_0:
called_computation_lowered:
.L_overlay_start_0:
0x88: {  	s2 =	sld [smem:$0x3FD9]  }
0x89: {  	s3 =	sld [smem:$0x3FFE];
	_ =	sdelay $0x1  }
0x8a: {  	s1 =	srdreg.scid  }
0x8b: {  	s0 =	sand.u32 $0x1, s1  }
0x8c: {  	s17 =	sshll.u32 s0, $0xA;
	s2 =	sadd.s32 s3, s2  }
0x8d: {  	s2 =	sadd.s32 s2, s17  }
0x8e: {  	[smem:$0x3FC6] =	sst s2  }
0x8f: {  	_ = 	snop  }
0x90: {  	s2 =	sld [smem:$0x3FC8]  }
0x91: {  	s18 =	sld [smem:$0x3FD0];
	(tm) =	ssettm $0x1  }
0x92: {  	s4 =	sld [smem:$0x3FFB];
	_ =	sdelay $0x3  }
0x93: {  	_ =	strace s4  }
0x94: {  	s4 =	sld [smem:$0x3FFC];
	_ =	sdelay $0x3  }
0x95: {  	_ =	strace s4  }
0x96: {  	s4 =	sld [smem:$0x3FFD];
	_ =	sdelay $0x3  }
0x97: {  	_ =	strace s4  }
0x98: {  	_ =	strace $0x8FFFFFFF  }
0x99: {  	s19 =	sld [smem:$0x3FDB];
	_ =	sdelay $0x1  }
0x9a: {  	s5 =	simm.s32 $_scs_section_size  }
0x9b: {  	s6 =	simm.s32 $_size__tile_overlayer_lowered;
	s7 =	simm.s32 $_tile_overlayer_lowered  }
0x9c: {  	s22 =	simm.s32 $0x1BFF;
	s21 =	sshll.u32 s7, $0x1;
	s4 =	sadd.s32 s5, s19  }
0x9d: {  	s8 =	simm.s32 $0x0;
	s20 =	sshll.u32 s6, $0x1;
	s6 =	sadd.s32 s21, s4  }
0x9e: {  	[timem:s8], [sflag:s22] =	dma.local [hbm:s6], s20  }
0x9f: {  	_ =	swait.ge [sflag:s22], s20  }
0xa0: {  	s5 =	ssub.s32 $0x0, s20;
	[sflag:s22] =	ssyncset.done $0x0  }
0xa1: {  	[sflag:s22] =	ssyncadd.s32 s5;
	_ =	sdelay $0x1  }
0xa2: {  	s23 =	simm.s32 $0x1B8B  }
0xa3: {  	_ =	swait.ge [sflag:s23], $0x1  }
0xa4: {  	[sflag:s23] =	ssyncset.done $0x0  }
0xa5: {  	s25 =	simm.s32 $0x1B8E;
	s24 =	sld [smem:$0x3FFE];
	[sflag:s23] =	ssyncadd.s32 $0xFFFFFFFF  }
0xa6: {  	s26 =	simm.s32 $execute0_lowered;
	[smem:$0x3FD2] =	sst s25  }
0xa7: {  	s6 =	sshll.u32 s26, $0x1;
	_ =	strace $0x80000046;
	[dreg:$0x1] =	wrdreg $0xFFFFFFFF  }
0xa8: {  	s28 =	simm.s32 $_size_execute0_lowered;
	s4 =	sadd.s32 s4, s6;
	[dreg:$0x0] =	wrdreg $0x0  }
0xa9: {  	s6 =	sshll.u32 s28, $0x1;
	[dreg:$0x2] =	wrdreg s4  }
0xaa: {  	[dreg:$0x3] =	wrdreg s6  }
0xab: {  	[dreg:$0x4] =	wrdreg $0xC0  }
0xac: {  	_ =	task [dreg:s8], $0x5FFFF  }
0xad: {  	[dreg:$0x1] =	wrdreg $0xFFFFFFFF  }
0xae: {  	[dreg:$0x0] =	wrdreg $0x60  }
0xaf: {  	[dreg:$0x2] =	wrdreg s2  }
0xb0: {  	[dreg:$0x3] =	wrdreg s24  }
0xb1: {  	[dreg:$0x4] =	wrdreg s18  }
0xb2: {  	[dreg:$0x5] =	wrdreg $0x9  }
0xb3: {  	_ =	task.clear_ibuf [dreg:s8], $0x6FFFF;
	_ =	strace $0x90000046  }
0xb4: {  	s29 =	simm.s32 $0x9;
	_ =	strace $0x80000048  }
0xb5: {  	_ =	swait.ge [sflag:s29], $0x1  }
0xb6: {  	[sflag:s29] =	ssyncadd.s32 $0xFFFFFFFF  }
0xb7: {  	_ =	strace $0x90000048  }
0xb8: {  	_ =	sfence  }
0xb9: {  	s30 =	sld [smem:$0x0];
	_ =	sdelay $0x2  }
0xba: {  	s31 =	sshll.u32 s1, $0xD;
	s1 =	sshrl.u32 s1, $0x2  }
0xbb: {  	s3 =	sand.u32 $0x4000, s31;
	s1 =	sadd.s32 s1, s30  }
0xbc: {  	s0 =	sor.u32 s3, s0;
	s1 =	sshll.u32 s1, $0x11  }
0xbd: {  	s0 =	sor.u32 s1, s0  }
0xbe: {  	s0 =	sadd.s32 $0x8F2B, s0  }
0xbf: {  	[sflag:s0] =	ssyncadd.remote.s32 $0x1  }
0xc0: {  	_ =	sfence.sel $0xFFFF  }
0xc1: {  	[dreg:$0x0] =	wrdreg $0xFFFFFFFF;
	(pc) =	sbr.abs _section_cstart, $3  }
0xc2: {  	[dreg:$0x1] =	wrdreg $0xFFFFFFFF  }
0xc3: {  	_ =	task.clear_ibuf [dreg:s8], $0x2FFFF;
	_ =	strace $0x9FFFFFFF  }
0xc4: {  	(tm) =	ssettm $0x7FFFFFFF  }
0xc5: {  	_ =	shalt  }
tec
execute0_lowered:
.L_overlay_start_1:
0x0: {  	(tag) =	ssettag $0x1  }
0x1: {  	s1 =	srdreg.scid;
	s0 =	stileid.u32  }
0x2: {  	s2 =	rddreg [dreg:$0x0];
	s18 =	sand.u32 $0x1, s1;
	s31 =	sshll.u32 s0, $0x1  }
0x3: {  	s4 =	rddreg [dreg:$0x1];
	s10 =	sor.u32 s18, s31  }
0x4: {  	s11 =	rddreg [dreg:$0x2];
	s5 =	smul.u32 $0x28, s10  }
0x5: {  	s3 =	simm.s32 $0x0;
	s1 =	rddreg [dreg:$0x3]  }
0x6: {  	[smem:$0x7FF] =	sst s3;
	s4 =	sadd.s32 s5, s4  }
0x7: {  	_ =	strace $0x80000047;
	s5 =	simm.s32 $0x5;
	s4 =	sadd.s32 $0x1400, s4  }
0x8: {  	[tilespmem:s3], [sflag:$0x5] =	stream.linear.gather [hbm4b:s4+s3], $0x140, $0x38;
	[tilespmem:$0x5180] =	vst v63  }
0x9: {  	_ =	swait.ge [sflag:s5], $0x140  }
0xa: {  	[sflag:s5] =	ssyncset.done $0x0  }
0xb: {  	s6 =	simm.s32 $0x50;
	s7 =	simm.s32 $0x180;
	[sflag:s5] =	ssyncadd.s32 $0xFFFFFEC0  }
0xc: {  	[tilespmem:s7], [sflag:$0x1] =	stream.indirect.gather [hbm4b:s2+s6], $0x80, s3, s6, $0xb8;
	[tilespmem:$0x5180] =	vst v63  }
0xd: {  	s8 =	simm.s32 $0x2980;
	s9 =	simm.s32 $0x1  }
0xe: {  	[tilespmem:s8], [sflag:$0x2] =	stream.indirect.gather [hbm4b:s2+s6], $0x80, s6, s6, $0xb8;
	[tilespmem:$0x5180] =	vst v63  }
0xf: {  	s10 =	smul.u32 $0x1400, s10;
	_ =	swait.ge [sflag:s9], $0x2800  }
0x10: {  	[sflag:s9] =	ssyncset.done $0x0  }
0x11: {  	s10 =	sadd.s32 s11, s10;
	s11 =	simm.s32 $0x2;
	[sflag:s9] =	ssyncadd.s32 $0xFFFFD800  }
0x12: {  	[hbm4b:s10+s3] =	stream.linear.scatter [tilespmem:s7], [sflag:$0x3], $0x2800, $0x38;
	[tilespmem:$0x5180] =	vst v63  }
0x13: {  	_ =	swait.ge [sflag:s11], $0x2800  }
0x14: {  	[sflag:s11] =	ssyncset.done $0x0  }
0x15: {  	s12 =	simm.s32 $0x3;
	[sflag:s11] =	ssyncadd.s32 $0xFFFFD800  }
0x16: {  	_ =	swait.ge [sflag:s12], $0x2800  }
0x17: {  	[sflag:s12] =	ssyncset.done $0x0  }
0x18: {  	s13 =	simm.s32 $0xA0;
	[sflag:s12] =	ssyncadd.s32 $0xFFFFD800  }
0x19: {  	[tilespmem:s7], [sflag:$0x1] =	stream.indirect.gather [hbm4b:s2+s6], $0x80, s13, s6, $0xb8;
	[tilespmem:$0x5180] =	vst v63  }
0x1a: {  	s14 =	simm.s32 $0x4;
	s15 =	sadd.s32 $0x500, s10  }
0x1b: {  	[hbm4b:s15+s3] =	stream.linear.scatter [tilespmem:s8], [sflag:$0x4], $0x2800, $0x38;
	[tilespmem:$0x5180] =	vst v63  }
0x1c: {  	_ =	swait.ge [sflag:s14], $0x2800  }
0x1d: {  	[sflag:s14] =	ssyncset.done $0x0  }
0x1e: {  	s16 =	simm.s32 $0xF0;
	[sflag:s14] =	ssyncadd.s32 $0xFFFFD800  }
0x1f: {  	[tilespmem:s8], [sflag:$0x2] =	stream.indirect.gather [hbm4b:s2+s6], $0x80, s16, s6, $0xb8;
	[tilespmem:$0x5180] =	vst v63  }
0x20: {  	_ =	swait.ge [sflag:s9], $0x2800  }
0x21: {  	[sflag:s9] =	ssyncset.done $0x0  }
0x22: {  	s18 =	ssub.s32 $0x2, s18;
	s17 =	sadd.s32 $0xA00, s10;
	[sflag:s9] =	ssyncadd.s32 $0xFFFFD800  }
0x23: {  	[hbm4b:s17+s3] =	stream.linear.scatter [tilespmem:s7], [sflag:$0x3], $0x2800, $0x38;
	[tilespmem:$0x5180] =	vst v63  }
0x24: {  	s19 =	sshrl.u32 s18, $0x1;
	_ =	swait.ge [sflag:s11], $0x2800  }
0x25: {  	s18 =	ssub.s32 s18, s19;
	[sflag:s11] =	ssyncset.done $0x0  }
0x26: {  	s19 =	smax.u32 s18, $0x1;
	[sflag:s11] =	ssyncadd.s32 $0xFFFFD800  }
0x27: {  	p0 =	sne.s32 s19, $0x1;
	_ =	swait.ge [sflag:s12], $0x2800  }
.Ltmp0:
0x28: {  	[sflag:s12] =	ssyncset.done $0x0;
	(pc) =	sbr.rel @!p0 .LBB2_2-.Ltmp0, $4  }
0x29: {  	s18 =	sadd.s32 $0xF00, s10;
	[sflag:s12] =	ssyncadd.s32 $0xFFFFD800  }
0x2a: {  	[hbm4b:s18+s3] =	stream.linear.scatter [tilespmem:s8], [sflag:$0x4], $0x2800, $0x38;
	[tilespmem:$0x5180] =	vst v63  }
0x2b: {  	_ =	swait.ge [sflag:s14], $0x2800  }
0x2c: {  	s19 =	sadd.s32 $0xFFFFFFFF, s19;
	[sflag:s14] =	ssyncset.done $0x0  }
.LBB2_1:
0x2d: {  	p0 =	sne.s32 s19, $0x1;
	s19 =	sadd.s32 $0xFFFFFFFF, s19;
	[sflag:s14] =	ssyncadd.s32 $0xFFFFD800  }
0x2e: {  	[tilespmem:s3], [sflag:$0x5] =	stream.linear.gather [hbm4b:s4+s3], $0x140, $0x38;
	[tilespmem:$0x5180] =	vst v63  }
0x2f: {  	_ =	swait.ge [sflag:s5], $0x140  }
0x30: {  	[sflag:s5] =	ssyncset.done $0x0  }
0x31: {  	[sflag:s5] =	ssyncadd.s32 $0xFFFFFEC0  }
0x32: {  	[tilespmem:s7], [sflag:$0x1] =	stream.indirect.gather [hbm4b:s2+s6], $0x80, s3, s6, $0xb8;
	[tilespmem:$0x5180] =	vst v63  }
0x33: {  	_ = 	snop  }
0x34: {  	[tilespmem:s8], [sflag:$0x2] =	stream.indirect.gather [hbm4b:s2+s6], $0x80, s6, s6, $0xb8;
	[tilespmem:$0x5180] =	vst v63  }
0x35: {  	_ =	swait.ge [sflag:s9], $0x2800  }
0x36: {  	[sflag:s9] =	ssyncset.done $0x0  }
0x37: {  	[sflag:s9] =	ssyncadd.s32 $0xFFFFD800  }
0x38: {  	[hbm4b:s10+s3] =	stream.linear.scatter [tilespmem:s7], [sflag:$0x3], $0x2800, $0x38;
	[tilespmem:$0x5180] =	vst v63  }
0x39: {  	_ =	swait.ge [sflag:s11], $0x2800  }
0x3a: {  	[sflag:s11] =	ssyncset.done $0x0  }
0x3b: {  	[sflag:s11] =	ssyncadd.s32 $0xFFFFD800  }
0x3c: {  	_ =	swait.ge [sflag:s12], $0x2800  }
0x3d: {  	[sflag:s12] =	ssyncset.done $0x0  }
0x3e: {  	[sflag:s12] =	ssyncadd.s32 $0xFFFFD800  }
0x3f: {  	[tilespmem:s7], [sflag:$0x1] =	stream.indirect.gather [hbm4b:s2+s6], $0x80, s13, s6, $0xb8;
	[tilespmem:$0x5180] =	vst v63  }
0x40: {  	_ = 	snop  }
0x41: {  	[hbm4b:s15+s3] =	stream.linear.scatter [tilespmem:s8], [sflag:$0x4], $0x2800, $0x38;
	[tilespmem:$0x5180] =	vst v63  }
0x42: {  	_ =	swait.ge [sflag:s14], $0x2800  }
0x43: {  	[sflag:s14] =	ssyncset.done $0x0  }
0x44: {  	[sflag:s14] =	ssyncadd.s32 $0xFFFFD800  }
0x45: {  	[tilespmem:s8], [sflag:$0x2] =	stream.indirect.gather [hbm4b:s2+s6], $0x80, s16, s6, $0xb8;
	[tilespmem:$0x5180] =	vst v63  }
0x46: {  	_ =	swait.ge [sflag:s9], $0x2800  }
0x47: {  	[sflag:s9] =	ssyncset.done $0x0  }
0x48: {  	[sflag:s9] =	ssyncadd.s32 $0xFFFFD800  }
0x49: {  	[hbm4b:s17+s3] =	stream.linear.scatter [tilespmem:s7], [sflag:$0x3], $0x2800, $0x38;
	[tilespmem:$0x5180] =	vst v63  }
0x4a: {  	_ =	swait.ge [sflag:s11], $0x2800  }
0x4b: {  	[sflag:s11] =	ssyncset.done $0x0  }
0x4c: {  	[sflag:s11] =	ssyncadd.s32 $0xFFFFD800  }
0x4d: {  	_ =	swait.ge [sflag:s12], $0x2800  }
.Ltmp1:
0x4e: {  	[sflag:s12] =	ssyncset.done $0x0;
	(pc) =	sbr.rel @p0 .LBB2_1-.Ltmp1, $4  }
0x4f: {  	[sflag:s12] =	ssyncadd.s32 $0xFFFFD800  }
0x50: {  	[hbm4b:s18+s3] =	stream.linear.scatter [tilespmem:s8], [sflag:$0x4], $0x2800, $0x38;
	[tilespmem:$0x5180] =	vst v63  }
0x51: {  	_ =	swait.ge [sflag:s14], $0x2800  }
0x52: {  	[sflag:s14] =	ssyncset.done $0x0  }
.LBB2_2:
0x53: {  	[sflag:s14] =	ssyncadd.s32 $0xFFFFD800  }
0x54: {  	_ =	sfence.sel $0x180000  }
0x55: {  	[bflag:$0x0] =	sbarrier.arrive $0xFFFF  }
0x56: {  	p0 =	sne.s32 s0, $0x0;
	_ =	strace $0x90000047  }
0x57: {  	s0 =	sadd.s32 @!p0 $0x100000, s1;
	[bflag:$0x2] =	sbarrier.arrive $0xFFFF  }
0x58: {  	[sflag:s0] =	ssyncadd.tile.s32 @!p0 $0x1;
	_ =	shalt  }
.Lfunc_end2:
_tile_overlayer_lowered:
.L_overlay_start_2:
0x59: {  	(tag) =	ssettag $0x2  }
0x5a: {  	s0 =	rddreg [dreg:$0x0];
	s2 =	stileid.u32  }
0x5b: {  	s1 =	rddreg [dreg:$0x1];
	p0 =	sne.s32 s2, $0x0  }
0x5c: {  	s3 =	rddreg [dreg:$0x2];
	[bflag:$0x3] =	sbarrier.arrive $0xFFFF;
	s2 =	simm.s32 @!p0 $0x1C05  }
0x5d: {  	[timem:s3], [sflag:s2] =	dma.local @!p0 [hbm:s0], s1  }
0x5e: {  	s0 =	simm.s32 @!p0 $0x5  }
0x5f: {  	_ =	swait.ge @!p0 [sflag:s0], s1  }
0x60: {  	s1 =	ssub.s32 @!p0 $0x0, s1;
	[sflag:s0] =	ssyncset.done @!p0 $0x0  }
0x61: {  	[sflag:s0] =	ssyncadd.s32 @!p0 s1  }
0x62: {  	[bflag:$0x3] =	sbarrier.arrive $0xFFFF  }
0x63: {  	_ =	shalt  }

</sc_bundles>
